<compile_context>
chip_gen: v7x
topology: tpu7x:2x2x1
jax: 0.10.2.dev20260603
libtpu: 0.0.44.dev20260713+nightly
codegen_flags: <defaults>
</compile_context>

<pallas_src>
import jax
import jax.numpy as jnp
from jax import lax
from jax.experimental import pallas as pl
from jax.experimental.pallas import tpu as pltpu
from jax.experimental.pallas import tpu_sc as plsc

N = 320000
D = 128
NUM_SEGMENTS = 1024

NC = 2
NS = 16
NW = NC * NS
ROWS_PER_W = N // NW
NCHUNK = 16
CHUNK = 640
NBUF = 3
GROUPS = CHUNK // 16
LAST_GROUPS = (ROWS_PER_W - (NCHUNK - 1) * CHUNK) // 16


def _sc_partials_body(feat_hbm, batch_hbm, sums_hbm, cnts_hbm,
                      i0, i1, i2, i3, i4, i5, i6, i7,
                      i8, i9, i10, i11, i12, i13, i14, i15,
                      b0, b1, b2, batch_v, acc_s, acc_c,
                      sem_b, sg0, sg1, sg2):
    cid = lax.axis_index("c")
    sid = lax.axis_index("s")
    wid = cid * NS + sid
    base = wid * ROWS_PER_W

    idxs = [i0, i1, i2, i3, i4, i5, i6, i7,
            i8, i9, i10, i11, i12, i13, i14, i15]
    bufs = [b0, b1, b2]
    sems = [sg0, sg1, sg2]

    batch_cp = pltpu.make_async_copy(
        batch_hbm.at[pl.ds(base, ROWS_PER_W)], batch_v, sem_b)
    batch_cp.start()

    lanes = lax.iota(jnp.int32, 16)

    def gather_cp(k, slot):
        return pltpu.make_async_copy(
            feat_hbm.at[idxs[k]], bufs[slot], sems[slot])

    for k in range(NCHUNK):
        def build(g, _, k=k):
            rows = base + k * CHUNK + g * 16 + lanes
            rows = jnp.minimum(rows, N - 1)
            idxs[k][pl.ds(g * 16, 16)] = rows * 8
            return _

        lax.fori_loop(0, GROUPS, build, None)
        if k < NBUF:
            gather_cp(k, k).start()

    def zero(j, _):
        for r in range(8):
            acc_s[r, pl.ds(j * 16, 16)] = jnp.zeros((16,), jnp.float32)
            acc_c[r, pl.ds(j * 16, 16)] = jnp.zeros((16,), jnp.float32)
        return _

    lax.fori_loop(0, 128 // 16, zero, None)
    batch_cp.wait()

    ones = jnp.ones((16,), jnp.float32)

    for k in range(NCHUNK):
        slot = k % NBUF
        gather_cp(k, slot).wait()
        buf = bufs[slot]
        ngroups = GROUPS if k < NCHUNK - 1 else LAST_GROUPS

        def scat(g, _, k=k, buf=buf):
            rows16 = g * 16 + lanes
            zeros16 = jnp.zeros((16,), jnp.int32)
            vals16 = plsc.load_gather(buf, [rows16, zeros16])
            seg16 = batch_v[pl.ds(k * CHUNK + g * 16, 16)]
            srow16 = lax.shift_right_logical(seg16, 7)
            scol16 = lax.bitwise_and(seg16, 127)
            plsc.addupdate_scatter(acc_s, [srow16, scol16], vals16)
            plsc.addupdate_scatter(acc_c, [srow16, scol16], ones)
            return _

        lax.fori_loop(0, ngroups, scat, None)
        if k + NBUF < NCHUNK:
            gather_cp(k + NBUF, slot).start()

    pltpu.sync_copy(acc_s, sums_hbm.at[pl.ds(wid * 8, 8)])
    pltpu.sync_copy(acc_c, cnts_hbm.at[pl.ds(wid * 8, 8)])


@jax.jit
def _sc_partials(feat16, batch32):
    mesh = plsc.VectorSubcoreMesh(core_axis_name="c", subcore_axis_name="s")
    return pl.kernel(
        _sc_partials_body,
        out_type=(
            jax.ShapeDtypeStruct((NW * 8, 128), jnp.float32),
            jax.ShapeDtypeStruct((NW * 8, 128), jnp.float32),
        ),
        mesh=mesh,
        compiler_params=pltpu.CompilerParams(
            needs_layout_passes=False, use_tc_tiling_on_sc=False),
        scratch_types=[pltpu.VMEM((CHUNK,), jnp.int32)] * NCHUNK + [
            pltpu.VMEM((CHUNK, 16), jnp.float32),
            pltpu.VMEM((CHUNK, 16), jnp.float32),
            pltpu.VMEM((CHUNK, 16), jnp.float32),
            pltpu.VMEM((ROWS_PER_W,), jnp.int32),
            pltpu.VMEM((8, 128), jnp.float32),
            pltpu.VMEM((8, 128), jnp.float32),
            pltpu.SemaphoreType.DMA,
            pltpu.SemaphoreType.DMA,
            pltpu.SemaphoreType.DMA,
            pltpu.SemaphoreType.DMA,
        ],
    )(feat16, batch32)


def _combine_body(s_ref, c_ref, o_ref):
    s = s_ref[...].reshape(NW, 8, 128)
    c = c_ref[...].reshape(NW, 8, 128)
    mean = jnp.sum(s, axis=0) / jnp.maximum(jnp.sum(c, axis=0), 1.0)
    o_ref[...] = mean.reshape(1024)


@jax.jit
def _combine(sums, cnts):
    return pl.pallas_call(
        _combine_body,
        out_shape=jax.ShapeDtypeStruct((NUM_SEGMENTS,), jnp.float32),
    )(sums, cnts)


def kernel(features, batch, is_global):
    del is_global
    feat16 = features.reshape(N * 8, 16)
    batch32 = batch.astype(jnp.int32)
    sums, cnts = _sc_partials(feat16, batch32)
    return _combine(sums, cnts)

# --- scband reference (transcript-rebuilt; emitter-appended) ---
"""Pipeline reference for scband-aggregated-tagger-wrapper-29978871726394 (READ-ONLY COPY).

The authoritative reference and input builder live on the scoring server;
editing this copy changes nothing except your own understanding.
"""

import jax, jax.numpy as jnp
import numpy as np

N = 320000
D = 128
NUM_SEGMENTS = 1024


def setup_inputs(seed: int = 0) -> dict:
    key = jax.random.key(seed)
    k1, k2, k3 = jax.random.split(key, 3)
    features = jax.random.normal(k1, (N, D), dtype=jnp.float32)
    batch = jnp.sort(jax.random.randint(k2, (N,), 0, NUM_SEGMENTS)).astype(jnp.int64)
    is_global = jax.random.randint(k3, (N,), 0, 2).astype(bool)
    return {"features": features, "batch": batch, "is_global": is_global}


def reference(features, batch, is_global):
    # AggregatedTaggerWrapper.extract_score with mean_aggregation=True:
    #   score = MeanAggregation()(features, index=batch)[:, 0]
    # MeanAggregation = per-segment mean over the graph/batch index (segment reduce).
    ones = jnp.ones((features.shape[0],), dtype=features.dtype)
    sums = jax.ops.segment_sum(features, batch, num_segments=NUM_SEGMENTS)
    counts = jax.ops.segment_sum(ones, batch, num_segments=NUM_SEGMENTS)
    mean = sums / jnp.clip(counts, 1.0)[:, None]
    score = mean[:, 0]
    return score

if __name__ == "__main__":
    import jax
    _d = setup_inputs()
    print(jax.jit(kernel)(*tuple(_d.values())))

</pallas_src>

<mosaic_0001>
#map = affine_map<(d0, d1) -> (0, 0)>
#map1 = affine_map<(d0, d1) -> (0)>
module attributes {stable_mosaic.version = 14 : i64} {
  func.func @_sc_partials_body(%arg0: i32, %arg1: i32, %arg2: memref<2560000x16xf32, #tpu.memory_space<hbm>>, %arg3: memref<320000xi32, #tpu.memory_space<hbm>>, %arg4: memref<256x128xf32, #tpu.memory_space<hbm>>, %arg5: memref<256x128xf32, #tpu.memory_space<hbm>>, %arg6: memref<640xi32, #tpu.memory_space<vmem>>, %arg7: memref<640xi32, #tpu.memory_space<vmem>>, %arg8: memref<640xi32, #tpu.memory_space<vmem>>, %arg9: memref<640xi32, #tpu.memory_space<vmem>>, %arg10: memref<640xi32, #tpu.memory_space<vmem>>, %arg11: memref<640xi32, #tpu.memory_space<vmem>>, %arg12: memref<640xi32, #tpu.memory_space<vmem>>, %arg13: memref<640xi32, #tpu.memory_space<vmem>>, %arg14: memref<640xi32, #tpu.memory_space<vmem>>, %arg15: memref<640xi32, #tpu.memory_space<vmem>>, %arg16: memref<640xi32, #tpu.memory_space<vmem>>, %arg17: memref<640xi32, #tpu.memory_space<vmem>>, %arg18: memref<640xi32, #tpu.memory_space<vmem>>, %arg19: memref<640xi32, #tpu.memory_space<vmem>>, %arg20: memref<640xi32, #tpu.memory_space<vmem>>, %arg21: memref<640xi32, #tpu.memory_space<vmem>>, %arg22: memref<640x16xf32, #tpu.memory_space<vmem>>, %arg23: memref<640x16xf32, #tpu.memory_space<vmem>>, %arg24: memref<640x16xf32, #tpu.memory_space<vmem>>, %arg25: memref<10000xi32, #tpu.memory_space<vmem>>, %arg26: memref<8x128xf32, #tpu.memory_space<vmem>>, %arg27: memref<8x128xf32, #tpu.memory_space<vmem>>, %arg28: memref<!tpu.dma_semaphore, #tpu.memory_space<semaphore_mem>>, %arg29: memref<!tpu.dma_semaphore, #tpu.memory_space<semaphore_mem>>, %arg30: memref<!tpu.dma_semaphore, #tpu.memory_space<semaphore_mem>>, %arg31: memref<!tpu.dma_semaphore, #tpu.memory_space<semaphore_mem>>) attributes {dimension_semantics = [#tpu.dimension_semantics<core_parallel>, #tpu.dimension_semantics<subcore_parallel>], iteration_bounds = array<i64: 2, 16>, scalar_prefetch = 0 : i64, scratch_operands = 26 : i64, tpu.core_type = #tpu.core_type<sc_vector_subcore>, window_params = [{transform_indices = #map}, {transform_indices = #map1}, {transform_indices = #map}, {transform_indices = #map}]} {
    %mul3A = arith.constant 16 : i32
    %mul3A_0 = arith.muli %arg0, %mul3A : i32
    %add3A = arith.addi %mul3A_0, %arg1 : i32
    %mul3A_1 = arith.constant 10000 : i32
    %mul3A_2 = arith.muli %add3A, %mul3A_1 : i32
    %dma_start3A = tpu.memref_slice %arg3[%mul3A_2] : memref<320000xi32, #tpu.memory_space<hbm>> -> memref<10000xi32, #tpu.memory_space<hbm>>
    %dma_start3A_3 = tpu.memref_slice %arg3[%mul3A_2] : memref<320000xi32, #tpu.memory_space<hbm>> -> memref<10000xi32, #tpu.memory_space<hbm>>
    tpu.enqueue_dma source(%dma_start3A_3 : memref<10000xi32, #tpu.memory_space<hbm>>) target(%arg25 : memref<10000xi32, #tpu.memory_space<vmem>>) target_semaphore(%arg28 : memref<!tpu.dma_semaphore, #tpu.memory_space<semaphore_mem>>)
    %iota3A = tpu.iota {dimensions = array<i32: 0>} : vector<16xi32>
    %scan3A = arith.constant 0 : i32
    %scan3A_4 = arith.constant 40 : i32
    %scan3A_5 = arith.addi %scan3A, %scan3A_4 : i32
    %scan3A_6 = arith.constant 1 : i32
    scf.for %scan3A_270 = %scan3A to %scan3A_5 step %scan3A_6  : i32 {
      %add3A_271 = arith.constant 0 : i32
      %add3A_272 = arith.addi %mul3A_2, %add3A_271 : i32
      %mul3A_273 = arith.constant 16 : i32
      %mul3A_274 = arith.muli %scan3A_270, %mul3A_273 : i32
      %add3A_275 = arith.addi %add3A_272, %mul3A_274 : i32
      %add3A_276 = vector.broadcast %add3A_275 : i32 to vector<16xi32>
      %add3A_277 = arith.addi %add3A_276, %iota3A : vector<16xi32>
      %min3A = arith.constant 319999 : i32
      %min3A_278 = vector.broadcast %min3A : i32 to vector<16xi32>
      %min3A_279 = arith.minsi %add3A_277, %min3A_278 : vector<16xi32>
      %mul3A_280 = arith.constant 8 : i32
      %mul3A_281 = vector.broadcast %mul3A_280 : i32 to vector<16xi32>
      %mul3A_282 = arith.muli %min3A_279, %mul3A_281 : vector<16xi32>
      %mul3A_283 = arith.constant 16 : i32
      %mul3A_284 = arith.muli %scan3A_270, %mul3A_283 : i32
      %swap3A = arith.index_cast %mul3A_284 : i32 to index
      %swap3A_285 = tpu.vector_load %arg6[%swap3A] {strides = array<i32>} : memref<640xi32, #tpu.memory_space<vmem>>, vector<16xi32>,
      tpu.vector_store %arg6[%swap3A], %mul3A_282 {strides = array<i32>} : memref<640xi32, #tpu.memory_space<vmem>>, vector<16xi32>,
    }
    %scan3A_7 = arith.constant 40 : i32
    %dma_start3A_8 = arith.constant 0 : i32
    %dma_start3A_9 = arith.constant 0 : i32
    %dma_start3A_10 = tpu.memref_slice %arg2[%dma_start3A_8, %dma_start3A_9] : memref<2560000x16xf32, #tpu.memory_space<hbm>> -> memref<2560000x16xf32, #tpu.memory_space<hbm>>
    tpu.enqueue_indirect_dma source(%dma_start3A_10 : memref<2560000x16xf32, #tpu.memory_space<hbm>>) target(%arg22 : memref<640x16xf32, #tpu.memory_space<vmem>>) offsets(%arg6 : memref<640xi32, #tpu.memory_space<vmem>>) semaphore(%arg29 : memref<!tpu.dma_semaphore, #tpu.memory_space<semaphore_mem>>)
    %scan3A_11 = arith.constant 0 : i32
    %scan3A_12 = arith.constant 40 : i32
    %scan3A_13 = arith.addi %scan3A_11, %scan3A_12 : i32
    %scan3A_14 = arith.constant 1 : i32
    scf.for %scan3A_270 = %scan3A_11 to %scan3A_13 step %scan3A_14  : i32 {
      %add3A_271 = arith.constant 640 : i32
      %add3A_272 = arith.addi %mul3A_2, %add3A_271 : i32
      %mul3A_273 = arith.constant 16 : i32
      %mul3A_274 = arith.muli %scan3A_270, %mul3A_273 : i32
      %add3A_275 = arith.addi %add3A_272, %mul3A_274 : i32
      %add3A_276 = vector.broadcast %add3A_275 : i32 to vector<16xi32>
      %add3A_277 = arith.addi %add3A_276, %iota3A : vector<16xi32>
      %min3A = arith.constant 319999 : i32
      %min3A_278 = vector.broadcast %min3A : i32 to vector<16xi32>
      %min3A_279 = arith.minsi %add3A_277, %min3A_278 : vector<16xi32>
      %mul3A_280 = arith.constant 8 : i32
      %mul3A_281 = vector.broadcast %mul3A_280 : i32 to vector<16xi32>
      %mul3A_282 = arith.muli %min3A_279, %mul3A_281 : vector<16xi32>
      %mul3A_283 = arith.constant 16 : i32
      %mul3A_284 = arith.muli %scan3A_270, %mul3A_283 : i32
      %swap3A = arith.index_cast %mul3A_284 : i32 to index
      %swap3A_285 = tpu.vector_load %arg7[%swap3A] {strides = array<i32>} : memref<640xi32, #tpu.memory_space<vmem>>, vector<16xi32>,
      tpu.vector_store %arg7[%swap3A], %mul3A_282 {strides = array<i32>} : memref<640xi32, #tpu.memory_space<vmem>>, vector<16xi32>,
    }
    %scan3A_15 = arith.constant 40 : i32
    %dma_start3A_16 = arith.constant 0 : i32
    %dma_start3A_17 = arith.constant 0 : i32
    %dma_start3A_18 = tpu.memref_slice %arg2[%dma_start3A_16, %dma_start3A_17] : memref<2560000x16xf32, #tpu.memory_space<hbm>> -> memref<2560000x16xf32, #tpu.memory_space<hbm>>
    tpu.enqueue_indirect_dma source(%dma_start3A_18 : memref<2560000x16xf32, #tpu.memory_space<hbm>>) target(%arg23 : memref<640x16xf32, #tpu.memory_space<vmem>>) offsets(%arg7 : memref<640xi32, #tpu.memory_space<vmem>>) semaphore(%arg30 : memref<!tpu.dma_semaphore, #tpu.memory_space<semaphore_mem>>)
    %scan3A_19 = arith.constant 0 : i32
    %scan3A_20 = arith.constant 40 : i32
    %scan3A_21 = arith.addi %scan3A_19, %scan3A_20 : i32
    %scan3A_22 = arith.constant 1 : i32
    scf.for %scan3A_270 = %scan3A_19 to %scan3A_21 step %scan3A_22  : i32 {
      %add3A_271 = arith.constant 1280 : i32
      %add3A_272 = arith.addi %mul3A_2, %add3A_271 : i32
      %mul3A_273 = arith.constant 16 : i32
      %mul3A_274 = arith.muli %scan3A_270, %mul3A_273 : i32
      %add3A_275 = arith.addi %add3A_272, %mul3A_274 : i32
      %add3A_276 = vector.broadcast %add3A_275 : i32 to vector<16xi32>
      %add3A_277 = arith.addi %add3A_276, %iota3A : vector<16xi32>
      %min3A = arith.constant 319999 : i32
      %min3A_278 = vector.broadcast %min3A : i32 to vector<16xi32>
      %min3A_279 = arith.minsi %add3A_277, %min3A_278 : vector<16xi32>
      %mul3A_280 = arith.constant 8 : i32
      %mul3A_281 = vector.broadcast %mul3A_280 : i32 to vector<16xi32>
      %mul3A_282 = arith.muli %min3A_279, %mul3A_281 : vector<16xi32>
      %mul3A_283 = arith.constant 16 : i32
      %mul3A_284 = arith.muli %scan3A_270, %mul3A_283 : i32
      %swap3A = arith.index_cast %mul3A_284 : i32 to index
      %swap3A_285 = tpu.vector_load %arg8[%swap3A] {strides = array<i32>} : memref<640xi32, #tpu.memory_space<vmem>>, vector<16xi32>,
      tpu.vector_store %arg8[%swap3A], %mul3A_282 {strides = array<i32>} : memref<640xi32, #tpu.memory_space<vmem>>, vector<16xi32>,
    }
    %scan3A_23 = arith.constant 40 : i32
    %dma_start3A_24 = arith.constant 0 : i32
    %dma_start3A_25 = arith.constant 0 : i32
    %dma_start3A_26 = tpu.memref_slice %arg2[%dma_start3A_24, %dma_start3A_25] : memref<2560000x16xf32, #tpu.memory_space<hbm>> -> memref<2560000x16xf32, #tpu.memory_space<hbm>>
    tpu.enqueue_indirect_dma source(%dma_start3A_26 : memref<2560000x16xf32, #tpu.memory_space<hbm>>) target(%arg24 : memref<640x16xf32, #tpu.memory_space<vmem>>) offsets(%arg8 : memref<640xi32, #tpu.memory_space<vmem>>) semaphore(%arg31 : memref<!tpu.dma_semaphore, #tpu.memory_space<semaphore_mem>>)
    %scan3A_27 = arith.constant 0 : i32
    %scan3A_28 = arith.constant 40 : i32
    %scan3A_29 = arith.addi %scan3A_27, %scan3A_28 : i32
    %scan3A_30 = arith.constant 1 : i32
    scf.for %scan3A_270 = %scan3A_27 to %scan3A_29 step %scan3A_30  : i32 {
      %add3A_271 = arith.constant 1920 : i32
      %add3A_272 = arith.addi %mul3A_2, %add3A_271 : i32
      %mul3A_273 = arith.constant 16 : i32
      %mul3A_274 = arith.muli %scan3A_270, %mul3A_273 : i32
      %add3A_275 = arith.addi %add3A_272, %mul3A_274 : i32
      %add3A_276 = vector.broadcast %add3A_275 : i32 to vector<16xi32>
      %add3A_277 = arith.addi %add3A_276, %iota3A : vector<16xi32>
      %min3A = arith.constant 319999 : i32
      %min3A_278 = vector.broadcast %min3A : i32 to vector<16xi32>
      %min3A_279 = arith.minsi %add3A_277, %min3A_278 : vector<16xi32>
      %mul3A_280 = arith.constant 8 : i32
      %mul3A_281 = vector.broadcast %mul3A_280 : i32 to vector<16xi32>
      %mul3A_282 = arith.muli %min3A_279, %mul3A_281 : vector<16xi32>
      %mul3A_283 = arith.constant 16 : i32
      %mul3A_284 = arith.muli %scan3A_270, %mul3A_283 : i32
      %swap3A = arith.index_cast %mul3A_284 : i32 to index
      %swap3A_285 = tpu.vector_load %arg9[%swap3A] {strides = array<i32>} : memref<640xi32, #tpu.memory_space<vmem>>, vector<16xi32>,
      tpu.vector_store %arg9[%swap3A], %mul3A_282 {strides = array<i32>} : memref<640xi32, #tpu.memory_space<vmem>>, vector<16xi32>,
    }
    %scan3A_31 = arith.constant 40 : i32
    %scan3A_32 = arith.constant 0 : i32
    %scan3A_33 = arith.constant 40 : i32
    %scan3A_34 = arith.addi %scan3A_32, %scan3A_33 : i32
    %scan3A_35 = arith.constant 1 : i32
    scf.for %scan3A_270 = %scan3A_32 to %scan3A_34 step %scan3A_35  : i32 {
      %add3A_271 = arith.constant 2560 : i32
      %add3A_272 = arith.addi %mul3A_2, %add3A_271 : i32
      %mul3A_273 = arith.constant 16 : i32
      %mul3A_274 = arith.muli %scan3A_270, %mul3A_273 : i32
      %add3A_275 = arith.addi %add3A_272, %mul3A_274 : i32
      %add3A_276 = vector.broadcast %add3A_275 : i32 to vector<16xi32>
      %add3A_277 = arith.addi %add3A_276, %iota3A : vector<16xi32>
      %min3A = arith.constant 319999 : i32
      %min3A_278 = vector.broadcast %min3A : i32 to vector<16xi32>
      %min3A_279 = arith.minsi %add3A_277, %min3A_278 : vector<16xi32>
      %mul3A_280 = arith.constant 8 : i32
      %mul3A_281 = vector.broadcast %mul3A_280 : i32 to vector<16xi32>
      %mul3A_282 = arith.muli %min3A_279, %mul3A_281 : vector<16xi32>
      %mul3A_283 = arith.constant 16 : i32
      %mul3A_284 = arith.muli %scan3A_270, %mul3A_283 : i32
      %swap3A = arith.index_cast %mul3A_284 : i32 to index
      %swap3A_285 = tpu.vector_load %arg10[%swap3A] {strides = array<i32>} : memref<640xi32, #tpu.memory_space<vmem>>, vector<16xi32>,
      tpu.vector_store %arg10[%swap3A], %mul3A_282 {strides = array<i32>} : memref<640xi32, #tpu.memory_space<vmem>>, vector<16xi32>,
    }
    %scan3A_36 = arith.constant 40 : i32
    %scan3A_37 = arith.constant 0 : i32
    %scan3A_38 = arith.constant 40 : i32
    %scan3A_39 = arith.addi %scan3A_37, %scan3A_38 : i32
    %scan3A_40 = arith.constant 1 : i32
    scf.for %scan3A_270 = %scan3A_37 to %scan3A_39 step %scan3A_40  : i32 {
      %add3A_271 = arith.constant 3200 : i32
      %add3A_272 = arith.addi %mul3A_2, %add3A_271 : i32
      %mul3A_273 = arith.constant 16 : i32
      %mul3A_274 = arith.muli %scan3A_270, %mul3A_273 : i32
      %add3A_275 = arith.addi %add3A_272, %mul3A_274 : i32
      %add3A_276 = vector.broadcast %add3A_275 : i32 to vector<16xi32>
      %add3A_277 = arith.addi %add3A_276, %iota3A : vector<16xi32>
      %min3A = arith.constant 319999 : i32
      %min3A_278 = vector.broadcast %min3A : i32 to vector<16xi32>
      %min3A_279 = arith.minsi %add3A_277, %min3A_278 : vector<16xi32>
      %mul3A_280 = arith.constant 8 : i32
      %mul3A_281 = vector.broadcast %mul3A_280 : i32 to vector<16xi32>
      %mul3A_282 = arith.muli %min3A_279, %mul3A_281 : vector<16xi32>
      %mul3A_283 = arith.constant 16 : i32
      %mul3A_284 = arith.muli %scan3A_270, %mul3A_283 : i32
      %swap3A = arith.index_cast %mul3A_284 : i32 to index
      %swap3A_285 = tpu.vector_load %arg11[%swap3A] {strides = array<i32>} : memref<640xi32, #tpu.memory_space<vmem>>, vector<16xi32>,
      tpu.vector_store %arg11[%swap3A], %mul3A_282 {strides = array<i32>} : memref<640xi32, #tpu.memory_space<vmem>>, vector<16xi32>,
    }
    %scan3A_41 = arith.constant 40 : i32
    %scan3A_42 = arith.constant 0 : i32
    %scan3A_43 = arith.constant 40 : i32
    %scan3A_44 = arith.addi %scan3A_42, %scan3A_43 : i32
    %scan3A_45 = arith.constant 1 : i32
    scf.for %scan3A_270 = %scan3A_42 to %scan3A_44 step %scan3A_45  : i32 {
      %add3A_271 = arith.constant 3840 : i32
      %add3A_272 = arith.addi %mul3A_2, %add3A_271 : i32
      %mul3A_273 = arith.constant 16 : i32
      %mul3A_274 = arith.muli %scan3A_270, %mul3A_273 : i32
      %add3A_275 = arith.addi %add3A_272, %mul3A_274 : i32
      %add3A_276 = vector.broadcast %add3A_275 : i32 to vector<16xi32>
      %add3A_277 = arith.addi %add3A_276, %iota3A : vector<16xi32>
      %min3A = arith.constant 319999 : i32
      %min3A_278 = vector.broadcast %min3A : i32 to vector<16xi32>
      %min3A_279 = arith.minsi %add3A_277, %min3A_278 : vector<16xi32>
      %mul3A_280 = arith.constant 8 : i32
      %mul3A_281 = vector.broadcast %mul3A_280 : i32 to vector<16xi32>
      %mul3A_282 = arith.muli %min3A_279, %mul3A_281 : vector<16xi32>
      %mul3A_283 = arith.constant 16 : i32
      %mul3A_284 = arith.muli %scan3A_270, %mul3A_283 : i32
      %swap3A = arith.index_cast %mul3A_284 : i32 to index
      %swap3A_285 = tpu.vector_load %arg12[%swap3A] {strides = array<i32>} : memref<640xi32, #tpu.memory_space<vmem>>, vector<16xi32>,
      tpu.vector_store %arg12[%swap3A], %mul3A_282 {strides = array<i32>} : memref<640xi32, #tpu.memory_space<vmem>>, vector<16xi32>,
    }
    %scan3A_46 = arith.constant 40 : i32
    %scan3A_47 = arith.constant 0 : i32
    %scan3A_48 = arith.constant 40 : i32
    %scan3A_49 = arith.addi %scan3A_47, %scan3A_48 : i32
    %scan3A_50 = arith.constant 1 : i32
    scf.for %scan3A_270 = %scan3A_47 to %scan3A_49 step %scan3A_50  : i32 {
      %add3A_271 = arith.constant 4480 : i32
      %add3A_272 = arith.addi %mul3A_2, %add3A_271 : i32
      %mul3A_273 = arith.constant 16 : i32
      %mul3A_274 = arith.muli %scan3A_270, %mul3A_273 : i32
      %add3A_275 = arith.addi %add3A_272, %mul3A_274 : i32
      %add3A_276 = vector.broadcast %add3A_275 : i32 to vector<16xi32>
      %add3A_277 = arith.addi %add3A_276, %iota3A : vector<16xi32>
      %min3A = arith.constant 319999 : i32
      %min3A_278 = vector.broadcast %min3A : i32 to vector<16xi32>
      %min3A_279 = arith.minsi %add3A_277, %min3A_278 : vector<16xi32>
      %mul3A_280 = arith.constant 8 : i32
      %mul3A_281 = vector.broadcast %mul3A_280 : i32 to vector<16xi32>
      %mul3A_282 = arith.muli %min3A_279, %mul3A_281 : vector<16xi32>
      %mul3A_283 = arith.constant 16 : i32
      %mul3A_284 = arith.muli %scan3A_270, %mul3A_283 : i32
      %swap3A = arith.index_cast %mul3A_284 : i32 to index
      %swap3A_285 = tpu.vector_load %arg13[%swap3A] {strides = array<i32>} : memref<640xi32, #tpu.memory_space<vmem>>, vector<16xi32>,
      tpu.vector_store %arg13[%swap3A], %mul3A_282 {strides = array<i32>} : memref<640xi32, #tpu.memory_space<vmem>>, vector<16xi32>,
    }
    %scan3A_51 = arith.constant 40 : i32
    %scan3A_52 = arith.constant 0 : i32
    %scan3A_53 = arith.constant 40 : i32
    %scan3A_54 = arith.addi %scan3A_52, %scan3A_53 : i32
    %scan3A_55 = arith.constant 1 : i32
    scf.for %scan3A_270 = %scan3A_52 to %scan3A_54 step %scan3A_55  : i32 {
      %add3A_271 = arith.constant 5120 : i32
      %add3A_272 = arith.addi %mul3A_2, %add3A_271 : i32
      %mul3A_273 = arith.constant 16 : i32
      %mul3A_274 = arith.muli %scan3A_270, %mul3A_273 : i32
      %add3A_275 = arith.addi %add3A_272, %mul3A_274 : i32
      %add3A_276 = vector.broadcast %add3A_275 : i32 to vector<16xi32>
      %add3A_277 = arith.addi %add3A_276, %iota3A : vector<16xi32>
      %min3A = arith.constant 319999 : i32
      %min3A_278 = vector.broadcast %min3A : i32 to vector<16xi32>
      %min3A_279 = arith.minsi %add3A_277, %min3A_278 : vector<16xi32>
      %mul3A_280 = arith.constant 8 : i32
      %mul3A_281 = vector.broadcast %mul3A_280 : i32 to vector<16xi32>
      %mul3A_282 = arith.muli %min3A_279, %mul3A_281 : vector<16xi32>
      %mul3A_283 = arith.constant 16 : i32
      %mul3A_284 = arith.muli %scan3A_270, %mul3A_283 : i32
      %swap3A = arith.index_cast %mul3A_284 : i32 to index
      %swap3A_285 = tpu.vector_load %arg14[%swap3A] {strides = array<i32>} : memref<640xi32, #tpu.memory_space<vmem>>, vector<16xi32>,
      tpu.vector_store %arg14[%swap3A], %mul3A_282 {strides = array<i32>} : memref<640xi32, #tpu.memory_space<vmem>>, vector<16xi32>,
    }
    %scan3A_56 = arith.constant 40 : i32
    %scan3A_57 = arith.constant 0 : i32
    %scan3A_58 = arith.constant 40 : i32
    %scan3A_59 = arith.addi %scan3A_57, %scan3A_58 : i32
    %scan3A_60 = arith.constant 1 : i32
    scf.for %scan3A_270 = %scan3A_57 to %scan3A_59 step %scan3A_60  : i32 {
      %add3A_271 = arith.constant 5760 : i32
      %add3A_272 = arith.addi %mul3A_2, %add3A_271 : i32
      %mul3A_273 = arith.constant 16 : i32
      %mul3A_274 = arith.muli %scan3A_270, %mul3A_273 : i32
      %add3A_275 = arith.addi %add3A_272, %mul3A_274 : i32
      %add3A_276 = vector.broadcast %add3A_275 : i32 to vector<16xi32>
      %add3A_277 = arith.addi %add3A_276, %iota3A : vector<16xi32>
      %min3A = arith.constant 319999 : i32
      %min3A_278 = vector.broadcast %min3A : i32 to vector<16xi32>
      %min3A_279 = arith.minsi %add3A_277, %min3A_278 : vector<16xi32>
      %mul3A_280 = arith.constant 8 : i32
      %mul3A_281 = vector.broadcast %mul3A_280 : i32 to vector<16xi32>
      %mul3A_282 = arith.muli %min3A_279, %mul3A_281 : vector<16xi32>
      %mul3A_283 = arith.constant 16 : i32
      %mul3A_284 = arith.muli %scan3A_270, %mul3A_283 : i32
      %swap3A = arith.index_cast %mul3A_284 : i32 to index
      %swap3A_285 = tpu.vector_load %arg15[%swap3A] {strides = array<i32>} : memref<640xi32, #tpu.memory_space<vmem>>, vector<16xi32>,
      tpu.vector_store %arg15[%swap3A], %mul3A_282 {strides = array<i32>} : memref<640xi32, #tpu.memory_space<vmem>>, vector<16xi32>,
    }
    %scan3A_61 = arith.constant 40 : i32
    %scan3A_62 = arith.constant 0 : i32
    %scan3A_63 = arith.constant 40 : i32
    %scan3A_64 = arith.addi %scan3A_62, %scan3A_63 : i32
    %scan3A_65 = arith.constant 1 : i32
    scf.for %scan3A_270 = %scan3A_62 to %scan3A_64 step %scan3A_65  : i32 {
      %add3A_271 = arith.constant 6400 : i32
      %add3A_272 = arith.addi %mul3A_2, %add3A_271 : i32
      %mul3A_273 = arith.constant 16 : i32
      %mul3A_274 = arith.muli %scan3A_270, %mul3A_273 : i32
      %add3A_275 = arith.addi %add3A_272, %mul3A_274 : i32
      %add3A_276 = vector.broadcast %add3A_275 : i32 to vector<16xi32>
      %add3A_277 = arith.addi %add3A_276, %iota3A : vector<16xi32>
      %min3A = arith.constant 319999 : i32
      %min3A_278 = vector.broadcast %min3A : i32 to vector<16xi32>
      %min3A_279 = arith.minsi %add3A_277, %min3A_278 : vector<16xi32>
      %mul3A_280 = arith.constant 8 : i32
      %mul3A_281 = vector.broadcast %mul3A_280 : i32 to vector<16xi32>
      %mul3A_282 = arith.muli %min3A_279, %mul3A_281 : vector<16xi32>
      %mul3A_283 = arith.constant 16 : i32
      %mul3A_284 = arith.muli %scan3A_270, %mul3A_283 : i32
      %swap3A = arith.index_cast %mul3A_284 : i32 to index
      %swap3A_285 = tpu.vector_load %arg16[%swap3A] {strides = array<i32>} : memref<640xi32, #tpu.memory_space<vmem>>, vector<16xi32>,
      tpu.vector_store %arg16[%swap3A], %mul3A_282 {strides = array<i32>} : memref<640xi32, #tpu.memory_space<vmem>>, vector<16xi32>,
    }
    %scan3A_66 = arith.constant 40 : i32
    %scan3A_67 = arith.constant 0 : i32
    %scan3A_68 = arith.constant 40 : i32
    %scan3A_69 = arith.addi %scan3A_67, %scan3A_68 : i32
    %scan3A_70 = arith.constant 1 : i32
    scf.for %scan3A_270 = %scan3A_67 to %scan3A_69 step %scan3A_70  : i32 {
      %add3A_271 = arith.constant 7040 : i32
      %add3A_272 = arith.addi %mul3A_2, %add3A_271 : i32
      %mul3A_273 = arith.constant 16 : i32
      %mul3A_274 = arith.muli %scan3A_270, %mul3A_273 : i32
      %add3A_275 = arith.addi %add3A_272, %mul3A_274 : i32
      %add3A_276 = vector.broadcast %add3A_275 : i32 to vector<16xi32>
      %add3A_277 = arith.addi %add3A_276, %iota3A : vector<16xi32>
      %min3A = arith.constant 319999 : i32
      %min3A_278 = vector.broadcast %min3A : i32 to vector<16xi32>
      %min3A_279 = arith.minsi %add3A_277, %min3A_278 : vector<16xi32>
      %mul3A_280 = arith.constant 8 : i32
      %mul3A_281 = vector.broadcast %mul3A_280 : i32 to vector<16xi32>
      %mul3A_282 = arith.muli %min3A_279, %mul3A_281 : vector<16xi32>
      %mul3A_283 = arith.constant 16 : i32
      %mul3A_284 = arith.muli %scan3A_270, %mul3A_283 : i32
      %swap3A = arith.index_cast %mul3A_284 : i32 to index
      %swap3A_285 = tpu.vector_load %arg17[%swap3A] {strides = array<i32>} : memref<640xi32, #tpu.memory_space<vmem>>, vector<16xi32>,
      tpu.vector_store %arg17[%swap3A], %mul3A_282 {strides = array<i32>} : memref<640xi32, #tpu.memory_space<vmem>>, vector<16xi32>,
    }
    %scan3A_71 = arith.constant 40 : i32
    %scan3A_72 = arith.constant 0 : i32
    %scan3A_73 = arith.constant 40 : i32
    %scan3A_74 = arith.addi %scan3A_72, %scan3A_73 : i32
    %scan3A_75 = arith.constant 1 : i32
    scf.for %scan3A_270 = %scan3A_72 to %scan3A_74 step %scan3A_75  : i32 {
      %add3A_271 = arith.constant 7680 : i32
      %add3A_272 = arith.addi %mul3A_2, %add3A_271 : i32
      %mul3A_273 = arith.constant 16 : i32
      %mul3A_274 = arith.muli %scan3A_270, %mul3A_273 : i32
      %add3A_275 = arith.addi %add3A_272, %mul3A_274 : i32
      %add3A_276 = vector.broadcast %add3A_275 : i32 to vector<16xi32>
      %add3A_277 = arith.addi %add3A_276, %iota3A : vector<16xi32>
      %min3A = arith.constant 319999 : i32
      %min3A_278 = vector.broadcast %min3A : i32 to vector<16xi32>
      %min3A_279 = arith.minsi %add3A_277, %min3A_278 : vector<16xi32>
      %mul3A_280 = arith.constant 8 : i32
      %mul3A_281 = vector.broadcast %mul3A_280 : i32 to vector<16xi32>
      %mul3A_282 = arith.muli %min3A_279, %mul3A_281 : vector<16xi32>
      %mul3A_283 = arith.constant 16 : i32
      %mul3A_284 = arith.muli %scan3A_270, %mul3A_283 : i32
      %swap3A = arith.index_cast %mul3A_284 : i32 to index
      %swap3A_285 = tpu.vector_load %arg18[%swap3A] {strides = array<i32>} : memref<640xi32, #tpu.memory_space<vmem>>, vector<16xi32>,
      tpu.vector_store %arg18[%swap3A], %mul3A_282 {strides = array<i32>} : memref<640xi32, #tpu.memory_space<vmem>>, vector<16xi32>,
    }
    %scan3A_76 = arith.constant 40 : i32
    %scan3A_77 = arith.constant 0 : i32
    %scan3A_78 = arith.constant 40 : i32
    %scan3A_79 = arith.addi %scan3A_77, %scan3A_78 : i32
    %scan3A_80 = arith.constant 1 : i32
    scf.for %scan3A_270 = %scan3A_77 to %scan3A_79 step %scan3A_80  : i32 {
      %add3A_271 = arith.constant 8320 : i32
      %add3A_272 = arith.addi %mul3A_2, %add3A_271 : i32
      %mul3A_273 = arith.constant 16 : i32
      %mul3A_274 = arith.muli %scan3A_270, %mul3A_273 : i32
      %add3A_275 = arith.addi %add3A_272, %mul3A_274 : i32
      %add3A_276 = vector.broadcast %add3A_275 : i32 to vector<16xi32>
      %add3A_277 = arith.addi %add3A_276, %iota3A : vector<16xi32>
      %min3A = arith.constant 319999 : i32
      %min3A_278 = vector.broadcast %min3A : i32 to vector<16xi32>
      %min3A_279 = arith.minsi %add3A_277, %min3A_278 : vector<16xi32>
      %mul3A_280 = arith.constant 8 : i32
      %mul3A_281 = vector.broadcast %mul3A_280 : i32 to vector<16xi32>
      %mul3A_282 = arith.muli %min3A_279, %mul3A_281 : vector<16xi32>
      %mul3A_283 = arith.constant 16 : i32
      %mul3A_284 = arith.muli %scan3A_270, %mul3A_283 : i32
      %swap3A = arith.index_cast %mul3A_284 : i32 to index
      %swap3A_285 = tpu.vector_load %arg19[%swap3A] {strides = array<i32>} : memref<640xi32, #tpu.memory_space<vmem>>, vector<16xi32>,
      tpu.vector_store %arg19[%swap3A], %mul3A_282 {strides = array<i32>} : memref<640xi32, #tpu.memory_space<vmem>>, vector<16xi32>,
    }
    %scan3A_81 = arith.constant 40 : i32
    %scan3A_82 = arith.constant 0 : i32
    %scan3A_83 = arith.constant 40 : i32
    %scan3A_84 = arith.addi %scan3A_82, %scan3A_83 : i32
    %scan3A_85 = arith.constant 1 : i32
    scf.for %scan3A_270 = %scan3A_82 to %scan3A_84 step %scan3A_85  : i32 {
      %add3A_271 = arith.constant 8960 : i32
      %add3A_272 = arith.addi %mul3A_2, %add3A_271 : i32
      %mul3A_273 = arith.constant 16 : i32
      %mul3A_274 = arith.muli %scan3A_270, %mul3A_273 : i32
      %add3A_275 = arith.addi %add3A_272, %mul3A_274 : i32
      %add3A_276 = vector.broadcast %add3A_275 : i32 to vector<16xi32>
      %add3A_277 = arith.addi %add3A_276, %iota3A : vector<16xi32>
      %min3A = arith.constant 319999 : i32
      %min3A_278 = vector.broadcast %min3A : i32 to vector<16xi32>
      %min3A_279 = arith.minsi %add3A_277, %min3A_278 : vector<16xi32>
      %mul3A_280 = arith.constant 8 : i32
      %mul3A_281 = vector.broadcast %mul3A_280 : i32 to vector<16xi32>
      %mul3A_282 = arith.muli %min3A_279, %mul3A_281 : vector<16xi32>
      %mul3A_283 = arith.constant 16 : i32
      %mul3A_284 = arith.muli %scan3A_270, %mul3A_283 : i32
      %swap3A = arith.index_cast %mul3A_284 : i32 to index
      %swap3A_285 = tpu.vector_load %arg20[%swap3A] {strides = array<i32>} : memref<640xi32, #tpu.memory_space<vmem>>, vector<16xi32>,
      tpu.vector_store %arg20[%swap3A], %mul3A_282 {strides = array<i32>} : memref<640xi32, #tpu.memory_space<vmem>>, vector<16xi32>,
    }
    %scan3A_86 = arith.constant 40 : i32
    %scan3A_87 = arith.constant 0 : i32
    %scan3A_88 = arith.constant 40 : i32
    %scan3A_89 = arith.addi %scan3A_87, %scan3A_88 : i32
    %scan3A_90 = arith.constant 1 : i32
    scf.for %scan3A_270 = %scan3A_87 to %scan3A_89 step %scan3A_90  : i32 {
      %add3A_271 = arith.constant 9600 : i32
      %add3A_272 = arith.addi %mul3A_2, %add3A_271 : i32
      %mul3A_273 = arith.constant 16 : i32
      %mul3A_274 = arith.muli %scan3A_270, %mul3A_273 : i32
      %add3A_275 = arith.addi %add3A_272, %mul3A_274 : i32
      %add3A_276 = vector.broadcast %add3A_275 : i32 to vector<16xi32>
      %add3A_277 = arith.addi %add3A_276, %iota3A : vector<16xi32>
      %min3A = arith.constant 319999 : i32
      %min3A_278 = vector.broadcast %min3A : i32 to vector<16xi32>
      %min3A_279 = arith.minsi %add3A_277, %min3A_278 : vector<16xi32>
      %mul3A_280 = arith.constant 8 : i32
      %mul3A_281 = vector.broadcast %mul3A_280 : i32 to vector<16xi32>
      %mul3A_282 = arith.muli %min3A_279, %mul3A_281 : vector<16xi32>
      %mul3A_283 = arith.constant 16 : i32
      %mul3A_284 = arith.muli %scan3A_270, %mul3A_283 : i32
      %swap3A = arith.index_cast %mul3A_284 : i32 to index
      %swap3A_285 = tpu.vector_load %arg21[%swap3A] {strides = array<i32>} : memref<640xi32, #tpu.memory_space<vmem>>, vector<16xi32>,
      tpu.vector_store %arg21[%swap3A], %mul3A_282 {strides = array<i32>} : memref<640xi32, #tpu.memory_space<vmem>>, vector<16xi32>,
    }
    %scan3A_91 = arith.constant 40 : i32
    %scan3A_92 = arith.constant 0 : i32
    %scan3A_93 = arith.constant 8 : i32
    %scan3A_94 = arith.addi %scan3A_92, %scan3A_93 : i32
    %scan3A_95 = arith.constant 1 : i32
    scf.for %scan3A_270 = %scan3A_92 to %scan3A_94 step %scan3A_95  : i32 {
      %broadcast_in_dim3A_271 = arith.constant 0.000000e+00 : f32
      %broadcast_in_dim3A_272 = vector.broadcast %broadcast_in_dim3A_271 : f32 to vector<16xf32>
      %mul3A_273 = arith.constant 16 : i32
      %mul3A_274 = arith.muli %scan3A_270, %mul3A_273 : i32
      %swap3A = arith.constant 0 : i32
      %swap3A_275 = arith.index_cast %swap3A : i32 to index
      %swap3A_276 = arith.index_cast %mul3A_274 : i32 to index
      %swap3A_277 = tpu.vector_load %arg26[%swap3A_275, %swap3A_276] {strides = array<i32>} : memref<8x128xf32, #tpu.memory_space<vmem>>, vector<16xf32>,
      tpu.vector_store %arg26[%swap3A_275, %swap3A_276], %broadcast_in_dim3A_272 {strides = array<i32>} : memref<8x128xf32, #tpu.memory_space<vmem>>, vector<16xf32>,
      %broadcast_in_dim3A_278 = arith.constant 0.000000e+00 : f32
      %broadcast_in_dim3A_279 = vector.broadcast %broadcast_in_dim3A_278 : f32 to vector<16xf32>
      %mul3A_280 = arith.constant 16 : i32
      %mul3A_281 = arith.muli %scan3A_270, %mul3A_280 : i32
      %swap3A_282 = arith.constant 0 : i32
      %swap3A_283 = arith.index_cast %swap3A_282 : i32 to index
      %swap3A_284 = arith.index_cast %mul3A_281 : i32 to index
      %swap3A_285 = tpu.vector_load %arg27[%swap3A_283, %swap3A_284] {strides = array<i32>} : memref<8x128xf32, #tpu.memory_space<vmem>>, vector<16xf32>,
      tpu.vector_store %arg27[%swap3A_283, %swap3A_284], %broadcast_in_dim3A_279 {strides = array<i32>} : memref<8x128xf32, #tpu.memory_space<vmem>>, vector<16xf32>,
      %broadcast_in_dim3A_286 = arith.constant 0.000000e+00 : f32
      %broadcast_in_dim3A_287 = vector.broadcast %broadcast_in_dim3A_286 : f32 to vector<16xf32>
      %mul3A_288 = arith.constant 16 : i32
      %mul3A_289 = arith.muli %scan3A_270, %mul3A_288 : i32
      %swap3A_290 = arith.constant 1 : i32
      %swap3A_291 = arith.index_cast %swap3A_290 : i32 to index
      %swap3A_292 = arith.index_cast %mul3A_289 : i32 to index
      %swap3A_293 = tpu.vector_load %arg26[%swap3A_291, %swap3A_292] {strides = array<i32>} : memref<8x128xf32, #tpu.memory_space<vmem>>, vector<16xf32>,
      tpu.vector_store %arg26[%swap3A_291, %swap3A_292], %broadcast_in_dim3A_287 {strides = array<i32>} : memref<8x128xf32, #tpu.memory_space<vmem>>, vector<16xf32>,
      %broadcast_in_dim3A_294 = arith.constant 0.000000e+00 : f32
      %broadcast_in_dim3A_295 = vector.broadcast %broadcast_in_dim3A_294 : f32 to vector<16xf32>
      %mul3A_296 = arith.constant 16 : i32
      %mul3A_297 = arith.muli %scan3A_270, %mul3A_296 : i32
      %swap3A_298 = arith.constant 1 : i32
      %swap3A_299 = arith.index_cast %swap3A_298 : i32 to index
      %swap3A_300 = arith.index_cast %mul3A_297 : i32 to index
      %swap3A_301 = tpu.vector_load %arg27[%swap3A_299, %swap3A_300] {strides = array<i32>} : memref<8x128xf32, #tpu.memory_space<vmem>>, vector<16xf32>,
      tpu.vector_store %arg27[%swap3A_299, %swap3A_300], %broadcast_in_dim3A_295 {strides = array<i32>} : memref<8x128xf32, #tpu.memory_space<vmem>>, vector<16xf32>,
      %broadcast_in_dim3A_302 = arith.constant 0.000000e+00 : f32
      %broadcast_in_dim3A_303 = vector.broadcast %broadcast_in_dim3A_302 : f32 to vector<16xf32>
      %mul3A_304 = arith.constant 16 : i32
      %mul3A_305 = arith.muli %scan3A_270, %mul3A_304 : i32
      %swap3A_306 = arith.constant 2 : i32
      %swap3A_307 = arith.index_cast %swap3A_306 : i32 to index
      %swap3A_308 = arith.index_cast %mul3A_305 : i32 to index
      %swap3A_309 = tpu.vector_load %arg26[%swap3A_307, %swap3A_308] {strides = array<i32>} : memref<8x128xf32, #tpu.memory_space<vmem>>, vector<16xf32>,
      tpu.vector_store %arg26[%swap3A_307, %swap3A_308], %broadcast_in_dim3A_303 {strides = array<i32>} : memref<8x128xf32, #tpu.memory_space<vmem>>, vector<16xf32>,
      %broadcast_in_dim3A_310 = arith.constant 0.000000e+00 : f32
      %broadcast_in_dim3A_311 = vector.broadcast %broadcast_in_dim3A_310 : f32 to vector<16xf32>
      %mul3A_312 = arith.constant 16 : i32
      %mul3A_313 = arith.muli %scan3A_270, %mul3A_312 : i32
      %swap3A_314 = arith.constant 2 : i32
      %swap3A_315 = arith.index_cast %swap3A_314 : i32 to index
      %swap3A_316 = arith.index_cast %mul3A_313 : i32 to index
      %swap3A_317 = tpu.vector_load %arg27[%swap3A_315, %swap3A_316] {strides = array<i32>} : memref<8x128xf32, #tpu.memory_space<vmem>>, vector<16xf32>,
      tpu.vector_store %arg27[%swap3A_315, %swap3A_316], %broadcast_in_dim3A_311 {strides = array<i32>} : memref<8x128xf32, #tpu.memory_space<vmem>>, vector<16xf32>,
      %broadcast_in_dim3A_318 = arith.constant 0.000000e+00 : f32
      %broadcast_in_dim3A_319 = vector.broadcast %broadcast_in_dim3A_318 : f32 to vector<16xf32>
      %mul3A_320 = arith.constant 16 : i32
      %mul3A_321 = arith.muli %scan3A_270, %mul3A_320 : i32
      %swap3A_322 = arith.constant 3 : i32
      %swap3A_323 = arith.index_cast %swap3A_322 : i32 to index
      %swap3A_324 = arith.index_cast %mul3A_321 : i32 to index
      %swap3A_325 = tpu.vector_load %arg26[%swap3A_323, %swap3A_324] {strides = array<i32>} : memref<8x128xf32, #tpu.memory_space<vmem>>, vector<16xf32>,
      tpu.vector_store %arg26[%swap3A_323, %swap3A_324], %broadcast_in_dim3A_319 {strides = array<i32>} : memref<8x128xf32, #tpu.memory_space<vmem>>, vector<16xf32>,
      %broadcast_in_dim3A_326 = arith.constant 0.000000e+00 : f32
      %broadcast_in_dim3A_327 = vector.broadcast %broadcast_in_dim3A_326 : f32 to vector<16xf32>
      %mul3A_328 = arith.constant 16 : i32
      %mul3A_329 = arith.muli %scan3A_270, %mul3A_328 : i32
      %swap3A_330 = arith.constant 3 : i32
      %swap3A_331 = arith.index_cast %swap3A_330 : i32 to index
      %swap3A_332 = arith.index_cast %mul3A_329 : i32 to index
      %swap3A_333 = tpu.vector_load %arg27[%swap3A_331, %swap3A_332] {strides = array<i32>} : memref<8x128xf32, #tpu.memory_space<vmem>>, vector<16xf32>,
      tpu.vector_store %arg27[%swap3A_331, %swap3A_332], %broadcast_in_dim3A_327 {strides = array<i32>} : memref<8x128xf32, #tpu.memory_space<vmem>>, vector<16xf32>,
      %broadcast_in_dim3A_334 = arith.constant 0.000000e+00 : f32
      %broadcast_in_dim3A_335 = vector.broadcast %broadcast_in_dim3A_334 : f32 to vector<16xf32>
      %mul3A_336 = arith.constant 16 : i32
      %mul3A_337 = arith.muli %scan3A_270, %mul3A_336 : i32
      %swap3A_338 = arith.constant 4 : i32
      %swap3A_339 = arith.index_cast %swap3A_338 : i32 to index
      %swap3A_340 = arith.index_cast %mul3A_337 : i32 to index
      %swap3A_341 = tpu.vector_load %arg26[%swap3A_339, %swap3A_340] {strides = array<i32>} : memref<8x128xf32, #tpu.memory_space<vmem>>, vector<16xf32>,
      tpu.vector_store %arg26[%swap3A_339, %swap3A_340], %broadcast_in_dim3A_335 {strides = array<i32>} : memref<8x128xf32, #tpu.memory_space<vmem>>, vector<16xf32>,
      %broadcast_in_dim3A_342 = arith.constant 0.000000e+00 : f32
      %broadcast_in_dim3A_343 = vector.broadcast %broadcast_in_dim3A_342 : f32 to vector<16xf32>
      %mul3A_344 = arith.constant 16 : i32
      %mul3A_345 = arith.muli %scan3A_270, %mul3A_344 : i32
      %swap3A_346 = arith.constant 4 : i32
      %swap3A_347 = arith.index_cast %swap3A_346 : i32 to index
      %swap3A_348 = arith.index_cast %mul3A_345 : i32 to index
      %swap3A_349 = tpu.vector_load %arg27[%swap3A_347, %swap3A_348] {strides = array<i32>} : memref<8x128xf32, #tpu.memory_space<vmem>>, vector<16xf32>,
      tpu.vector_store %arg27[%swap3A_347, %swap3A_348], %broadcast_in_dim3A_343 {strides = array<i32>} : memref<8x128xf32, #tpu.memory_space<vmem>>, vector<16xf32>,
      %broadcast_in_dim3A_350 = arith.constant 0.000000e+00 : f32
      %broadcast_in_dim3A_351 = vector.broadcast %broadcast_in_dim3A_350 : f32 to vector<16xf32>
      %mul3A_352 = arith.constant 16 : i32
      %mul3A_353 = arith.muli %scan3A_270, %mul3A_352 : i32
      %swap3A_354 = arith.constant 5 : i32
      %swap3A_355 = arith.index_cast %swap3A_354 : i32 to index
      %swap3A_356 = arith.index_cast %mul3A_353 : i32 to index
      %swap3A_357 = tpu.vector_load %arg26[%swap3A_355, %swap3A_356] {strides = array<i32>} : memref<8x128xf32, #tpu.memory_space<vmem>>, vector<16xf32>,
      tpu.vector_store %arg26[%swap3A_355, %swap3A_356], %broadcast_in_dim3A_351 {strides = array<i32>} : memref<8x128xf32, #tpu.memory_space<vmem>>, vector<16xf32>,
      %broadcast_in_dim3A_358 = arith.constant 0.000000e+00 : f32
      %broadcast_in_dim3A_359 = vector.broadcast %broadcast_in_dim3A_358 : f32 to vector<16xf32>
      %mul3A_360 = arith.constant 16 : i32
      %mul3A_361 = arith.muli %scan3A_270, %mul3A_360 : i32
      %swap3A_362 = arith.constant 5 : i32
      %swap3A_363 = arith.index_cast %swap3A_362 : i32 to index
      %swap3A_364 = arith.index_cast %mul3A_361 : i32 to index
      %swap3A_365 = tpu.vector_load %arg27[%swap3A_363, %swap3A_364] {strides = array<i32>} : memref<8x128xf32, #tpu.memory_space<vmem>>, vector<16xf32>,
      tpu.vector_store %arg27[%swap3A_363, %swap3A_364], %broadcast_in_dim3A_359 {strides = array<i32>} : memref<8x128xf32, #tpu.memory_space<vmem>>, vector<16xf32>,
      %broadcast_in_dim3A_366 = arith.constant 0.000000e+00 : f32
      %broadcast_in_dim3A_367 = vector.broadcast %broadcast_in_dim3A_366 : f32 to vector<16xf32>
      %mul3A_368 = arith.constant 16 : i32
      %mul3A_369 = arith.muli %scan3A_270, %mul3A_368 : i32
      %swap3A_370 = arith.constant 6 : i32
      %swap3A_371 = arith.index_cast %swap3A_370 : i32 to index
      %swap3A_372 = arith.index_cast %mul3A_369 : i32 to index
      %swap3A_373 = tpu.vector_load %arg26[%swap3A_371, %swap3A_372] {strides = array<i32>} : memref<8x128xf32, #tpu.memory_space<vmem>>, vector<16xf32>,
      tpu.vector_store %arg26[%swap3A_371, %swap3A_372], %broadcast_in_dim3A_367 {strides = array<i32>} : memref<8x128xf32, #tpu.memory_space<vmem>>, vector<16xf32>,
      %broadcast_in_dim3A_374 = arith.constant 0.000000e+00 : f32
      %broadcast_in_dim3A_375 = vector.broadcast %broadcast_in_dim3A_374 : f32 to vector<16xf32>
      %mul3A_376 = arith.constant 16 : i32
      %mul3A_377 = arith.muli %scan3A_270, %mul3A_376 : i32
      %swap3A_378 = arith.constant 6 : i32
      %swap3A_379 = arith.index_cast %swap3A_378 : i32 to index
      %swap3A_380 = arith.index_cast %mul3A_377 : i32 to index
      %swap3A_381 = tpu.vector_load %arg27[%swap3A_379, %swap3A_380] {strides = array<i32>} : memref<8x128xf32, #tpu.memory_space<vmem>>, vector<16xf32>,
      tpu.vector_store %arg27[%swap3A_379, %swap3A_380], %broadcast_in_dim3A_375 {strides = array<i32>} : memref<8x128xf32, #tpu.memory_space<vmem>>, vector<16xf32>,
      %broadcast_in_dim3A_382 = arith.constant 0.000000e+00 : f32
      %broadcast_in_dim3A_383 = vector.broadcast %broadcast_in_dim3A_382 : f32 to vector<16xf32>
      %mul3A_384 = arith.constant 16 : i32
      %mul3A_385 = arith.muli %scan3A_270, %mul3A_384 : i32
      %swap3A_386 = arith.constant 7 : i32
      %swap3A_387 = arith.index_cast %swap3A_386 : i32 to index
      %swap3A_388 = arith.index_cast %mul3A_385 : i32 to index
      %swap3A_389 = tpu.vector_load %arg26[%swap3A_387, %swap3A_388] {strides = array<i32>} : memref<8x128xf32, #tpu.memory_space<vmem>>, vector<16xf32>,
      tpu.vector_store %arg26[%swap3A_387, %swap3A_388], %broadcast_in_dim3A_383 {strides = array<i32>} : memref<8x128xf32, #tpu.memory_space<vmem>>, vector<16xf32>,
      %broadcast_in_dim3A_390 = arith.constant 0.000000e+00 : f32
      %broadcast_in_dim3A_391 = vector.broadcast %broadcast_in_dim3A_390 : f32 to vector<16xf32>
      %mul3A_392 = arith.constant 16 : i32
      %mul3A_393 = arith.muli %scan3A_270, %mul3A_392 : i32
      %swap3A_394 = arith.constant 7 : i32
      %swap3A_395 = arith.index_cast %swap3A_394 : i32 to index
      %swap3A_396 = arith.index_cast %mul3A_393 : i32 to index
      %swap3A_397 = tpu.vector_load %arg27[%swap3A_395, %swap3A_396] {strides = array<i32>} : memref<8x128xf32, #tpu.memory_space<vmem>>, vector<16xf32>,
      tpu.vector_store %arg27[%swap3A_395, %swap3A_396], %broadcast_in_dim3A_391 {strides = array<i32>} : memref<8x128xf32, #tpu.memory_space<vmem>>, vector<16xf32>,
    }
    %scan3A_96 = arith.constant 8 : i32
    %dma_wait3A = tpu.memref_slice %arg3[%mul3A_2] : memref<320000xi32, #tpu.memory_space<hbm>> -> memref<10000xi32, #tpu.memory_space<hbm>>
    %dma_wait3A_97 = tpu.memref_slice %arg3[%mul3A_2] : memref<320000xi32, #tpu.memory_space<hbm>> -> memref<10000xi32, #tpu.memory_space<hbm>>
    tpu.wait_dma2 semaphore(%arg28 : memref<!tpu.dma_semaphore, #tpu.memory_space<semaphore_mem>>) src(%dma_wait3A_97 : memref<10000xi32, #tpu.memory_space<hbm>>) dst(%arg25 : memref<10000xi32, #tpu.memory_space<vmem>>)
    %broadcast_in_dim3A = arith.constant 1.000000e+00 : f32
    %broadcast_in_dim3A_98 = vector.broadcast %broadcast_in_dim3A : f32 to vector<16xf32>
    %dma_wait3A_99 = arith.constant 0 : i32
    %dma_wait3A_100 = arith.constant 0 : i32
    %dma_wait3A_101 = tpu.memref_slice %arg2[%dma_wait3A_99, %dma_wait3A_100] : memref<2560000x16xf32, #tpu.memory_space<hbm>> -> memref<2560000x16xf32, #tpu.memory_space<hbm>>
    tpu.wait_indirect_dma semaphore(%arg29 : memref<!tpu.dma_semaphore, #tpu.memory_space<semaphore_mem>>) src(%dma_wait3A_101 : memref<2560000x16xf32, #tpu.memory_space<hbm>>) dst(%arg22 : memref<640x16xf32, #tpu.memory_space<vmem>>)
    %scan3A_102 = arith.constant 0 : i32
    %scan3A_103 = arith.constant 40 : i32
    %scan3A_104 = arith.addi %scan3A_102, %scan3A_103 : i32
    %scan3A_105 = arith.constant 1 : i32
    scf.for %scan3A_270 = %scan3A_102 to %scan3A_104 step %scan3A_105  : i32 {
      %mul3A_271 = arith.constant 16 : i32
      %mul3A_272 = arith.muli %scan3A_270, %mul3A_271 : i32
      %add3A_273 = vector.broadcast %mul3A_272 : i32 to vector<16xi32>
      %add3A_274 = arith.addi %add3A_273, %iota3A : vector<16xi32>
      %broadcast_in_dim3A_275 = arith.constant 0 : i32
      %broadcast_in_dim3A_276 = vector.broadcast %broadcast_in_dim3A_275 : i32 to vector<16xi32>
      %gather3A = tpu.vector_load_idx %arg22[%add3A_274, %broadcast_in_dim3A_276] : memref<640x16xf32, #tpu.memory_space<vmem>>[vector<16xi32>, vector<16xi32>], vector<16xf32>,
      %mul3A_277 = arith.constant 16 : i32
      %mul3A_278 = arith.muli %scan3A_270, %mul3A_277 : i32
      %add3A_279 = arith.constant 0 : i32
      %add3A_280 = arith.addi %add3A_279, %mul3A_278 : i32
      %get3A = arith.index_cast %add3A_280 : i32 to index
      %get3A_281 = tpu.vector_load %arg25[%get3A] {strides = array<i32>} : memref<10000xi32, #tpu.memory_space<vmem>>, vector<16xi32>,
      %shift_right_logical3A = arith.constant 7 : i32
      %shift_right_logical3A_282 = vector.broadcast %shift_right_logical3A : i32 to vector<16xi32>
      %shift_right_logical3A_283 = arith.shrui %get3A_281, %shift_right_logical3A_282 : vector<16xi32>
      %and3A = arith.constant 127 : i32
      %and3A_284 = vector.broadcast %and3A : i32 to vector<16xi32>
      %and3A_285 = arith.andi %get3A_281, %and3A_284 : vector<16xi32>
      tpu.vector_store_idx %arg26[%shift_right_logical3A_283, %and3A_285], %gather3A {add = true} : memref<8x128xf32, #tpu.memory_space<vmem>>[vector<16xi32>, vector<16xi32>], vector<16xf32>,
      tpu.vector_store_idx %arg27[%shift_right_logical3A_283, %and3A_285], %broadcast_in_dim3A_98 {add = true} : memref<8x128xf32, #tpu.memory_space<vmem>>[vector<16xi32>, vector<16xi32>], vector<16xf32>,
    }
    %scan3A_106 = arith.constant 40 : i32
    %dma_start3A_107 = arith.constant 0 : i32
    %dma_start3A_108 = arith.constant 0 : i32
    %dma_start3A_109 = tpu.memref_slice %arg2[%dma_start3A_107, %dma_start3A_108] : memref<2560000x16xf32, #tpu.memory_space<hbm>> -> memref<2560000x16xf32, #tpu.memory_space<hbm>>
    tpu.enqueue_indirect_dma source(%dma_start3A_109 : memref<2560000x16xf32, #tpu.memory_space<hbm>>) target(%arg22 : memref<640x16xf32, #tpu.memory_space<vmem>>) offsets(%arg9 : memref<640xi32, #tpu.memory_space<vmem>>) semaphore(%arg29 : memref<!tpu.dma_semaphore, #tpu.memory_space<semaphore_mem>>)
    %dma_wait3A_110 = arith.constant 0 : i32
    %dma_wait3A_111 = arith.constant 0 : i32
    %dma_wait3A_112 = tpu.memref_slice %arg2[%dma_wait3A_110, %dma_wait3A_111] : memref<2560000x16xf32, #tpu.memory_space<hbm>> -> memref<2560000x16xf32, #tpu.memory_space<hbm>>
    tpu.wait_indirect_dma semaphore(%arg30 : memref<!tpu.dma_semaphore, #tpu.memory_space<semaphore_mem>>) src(%dma_wait3A_112 : memref<2560000x16xf32, #tpu.memory_space<hbm>>) dst(%arg23 : memref<640x16xf32, #tpu.memory_space<vmem>>)
    %scan3A_113 = arith.constant 0 : i32
    %scan3A_114 = arith.constant 40 : i32
    %scan3A_115 = arith.addi %scan3A_113, %scan3A_114 : i32
    %scan3A_116 = arith.constant 1 : i32
    scf.for %scan3A_270 = %scan3A_113 to %scan3A_115 step %scan3A_116  : i32 {
      %mul3A_271 = arith.constant 16 : i32
      %mul3A_272 = arith.muli %scan3A_270, %mul3A_271 : i32
      %add3A_273 = vector.broadcast %mul3A_272 : i32 to vector<16xi32>
      %add3A_274 = arith.addi %add3A_273, %iota3A : vector<16xi32>
      %broadcast_in_dim3A_275 = arith.constant 0 : i32
      %broadcast_in_dim3A_276 = vector.broadcast %broadcast_in_dim3A_275 : i32 to vector<16xi32>
      %gather3A = tpu.vector_load_idx %arg23[%add3A_274, %broadcast_in_dim3A_276] : memref<640x16xf32, #tpu.memory_space<vmem>>[vector<16xi32>, vector<16xi32>], vector<16xf32>,
      %mul3A_277 = arith.constant 16 : i32
      %mul3A_278 = arith.muli %scan3A_270, %mul3A_277 : i32
      %add3A_279 = arith.constant 640 : i32
      %add3A_280 = arith.addi %add3A_279, %mul3A_278 : i32
      %get3A = arith.index_cast %add3A_280 : i32 to index
      %get3A_281 = tpu.vector_load %arg25[%get3A] {strides = array<i32>} : memref<10000xi32, #tpu.memory_space<vmem>>, vector<16xi32>,
      %shift_right_logical3A = arith.constant 7 : i32
      %shift_right_logical3A_282 = vector.broadcast %shift_right_logical3A : i32 to vector<16xi32>
      %shift_right_logical3A_283 = arith.shrui %get3A_281, %shift_right_logical3A_282 : vector<16xi32>
      %and3A = arith.constant 127 : i32
      %and3A_284 = vector.broadcast %and3A : i32 to vector<16xi32>
      %and3A_285 = arith.andi %get3A_281, %and3A_284 : vector<16xi32>
      tpu.vector_store_idx %arg26[%shift_right_logical3A_283, %and3A_285], %gather3A {add = true} : memref<8x128xf32, #tpu.memory_space<vmem>>[vector<16xi32>, vector<16xi32>], vector<16xf32>,
      tpu.vector_store_idx %arg27[%shift_right_logical3A_283, %and3A_285], %broadcast_in_dim3A_98 {add = true} : memref<8x128xf32, #tpu.memory_space<vmem>>[vector<16xi32>, vector<16xi32>], vector<16xf32>,
    }
    %scan3A_117 = arith.constant 40 : i32
    %dma_start3A_118 = arith.constant 0 : i32
    %dma_start3A_119 = arith.constant 0 : i32
    %dma_start3A_120 = tpu.memref_slice %arg2[%dma_start3A_118, %dma_start3A_119] : memref<2560000x16xf32, #tpu.memory_space<hbm>> -> memref<2560000x16xf32, #tpu.memory_space<hbm>>
    tpu.enqueue_indirect_dma source(%dma_start3A_120 : memref<2560000x16xf32, #tpu.memory_space<hbm>>) target(%arg23 : memref<640x16xf32, #tpu.memory_space<vmem>>) offsets(%arg10 : memref<640xi32, #tpu.memory_space<vmem>>) semaphore(%arg30 : memref<!tpu.dma_semaphore, #tpu.memory_space<semaphore_mem>>)
    %dma_wait3A_121 = arith.constant 0 : i32
    %dma_wait3A_122 = arith.constant 0 : i32
    %dma_wait3A_123 = tpu.memref_slice %arg2[%dma_wait3A_121, %dma_wait3A_122] : memref<2560000x16xf32, #tpu.memory_space<hbm>> -> memref<2560000x16xf32, #tpu.memory_space<hbm>>
    tpu.wait_indirect_dma semaphore(%arg31 : memref<!tpu.dma_semaphore, #tpu.memory_space<semaphore_mem>>) src(%dma_wait3A_123 : memref<2560000x16xf32, #tpu.memory_space<hbm>>) dst(%arg24 : memref<640x16xf32, #tpu.memory_space<vmem>>)
    %scan3A_124 = arith.constant 0 : i32
    %scan3A_125 = arith.constant 40 : i32
    %scan3A_126 = arith.addi %scan3A_124, %scan3A_125 : i32
    %scan3A_127 = arith.constant 1 : i32
    scf.for %scan3A_270 = %scan3A_124 to %scan3A_126 step %scan3A_127  : i32 {
      %mul3A_271 = arith.constant 16 : i32
      %mul3A_272 = arith.muli %scan3A_270, %mul3A_271 : i32
      %add3A_273 = vector.broadcast %mul3A_272 : i32 to vector<16xi32>
      %add3A_274 = arith.addi %add3A_273, %iota3A : vector<16xi32>
      %broadcast_in_dim3A_275 = arith.constant 0 : i32
      %broadcast_in_dim3A_276 = vector.broadcast %broadcast_in_dim3A_275 : i32 to vector<16xi32>
      %gather3A = tpu.vector_load_idx %arg24[%add3A_274, %broadcast_in_dim3A_276] : memref<640x16xf32, #tpu.memory_space<vmem>>[vector<16xi32>, vector<16xi32>], vector<16xf32>,
      %mul3A_277 = arith.constant 16 : i32
      %mul3A_278 = arith.muli %scan3A_270, %mul3A_277 : i32
      %add3A_279 = arith.constant 1280 : i32
      %add3A_280 = arith.addi %add3A_279, %mul3A_278 : i32
      %get3A = arith.index_cast %add3A_280 : i32 to index
      %get3A_281 = tpu.vector_load %arg25[%get3A] {strides = array<i32>} : memref<10000xi32, #tpu.memory_space<vmem>>, vector<16xi32>,
      %shift_right_logical3A = arith.constant 7 : i32
      %shift_right_logical3A_282 = vector.broadcast %shift_right_logical3A : i32 to vector<16xi32>
      %shift_right_logical3A_283 = arith.shrui %get3A_281, %shift_right_logical3A_282 : vector<16xi32>
      %and3A = arith.constant 127 : i32
      %and3A_284 = vector.broadcast %and3A : i32 to vector<16xi32>
      %and3A_285 = arith.andi %get3A_281, %and3A_284 : vector<16xi32>
      tpu.vector_store_idx %arg26[%shift_right_logical3A_283, %and3A_285], %gather3A {add = true} : memref<8x128xf32, #tpu.memory_space<vmem>>[vector<16xi32>, vector<16xi32>], vector<16xf32>,
      tpu.vector_store_idx %arg27[%shift_right_logical3A_283, %and3A_285], %broadcast_in_dim3A_98 {add = true} : memref<8x128xf32, #tpu.memory_space<vmem>>[vector<16xi32>, vector<16xi32>], vector<16xf32>,
    }
    %scan3A_128 = arith.constant 40 : i32
    %dma_start3A_129 = arith.constant 0 : i32
    %dma_start3A_130 = arith.constant 0 : i32
    %dma_start3A_131 = tpu.memref_slice %arg2[%dma_start3A_129, %dma_start3A_130] : memref<2560000x16xf32, #tpu.memory_space<hbm>> -> memref<2560000x16xf32, #tpu.memory_space<hbm>>
    tpu.enqueue_indirect_dma source(%dma_start3A_131 : memref<2560000x16xf32, #tpu.memory_space<hbm>>) target(%arg24 : memref<640x16xf32, #tpu.memory_space<vmem>>) offsets(%arg11 : memref<640xi32, #tpu.memory_space<vmem>>) semaphore(%arg31 : memref<!tpu.dma_semaphore, #tpu.memory_space<semaphore_mem>>)
    %dma_wait3A_132 = arith.constant 0 : i32
    %dma_wait3A_133 = arith.constant 0 : i32
    %dma_wait3A_134 = tpu.memref_slice %arg2[%dma_wait3A_132, %dma_wait3A_133] : memref<2560000x16xf32, #tpu.memory_space<hbm>> -> memref<2560000x16xf32, #tpu.memory_space<hbm>>
    tpu.wait_indirect_dma semaphore(%arg29 : memref<!tpu.dma_semaphore, #tpu.memory_space<semaphore_mem>>) src(%dma_wait3A_134 : memref<2560000x16xf32, #tpu.memory_space<hbm>>) dst(%arg22 : memref<640x16xf32, #tpu.memory_space<vmem>>)
    %scan3A_135 = arith.constant 0 : i32
    %scan3A_136 = arith.constant 40 : i32
    %scan3A_137 = arith.addi %scan3A_135, %scan3A_136 : i32
    %scan3A_138 = arith.constant 1 : i32
    scf.for %scan3A_270 = %scan3A_135 to %scan3A_137 step %scan3A_138  : i32 {
      %mul3A_271 = arith.constant 16 : i32
      %mul3A_272 = arith.muli %scan3A_270, %mul3A_271 : i32
      %add3A_273 = vector.broadcast %mul3A_272 : i32 to vector<16xi32>
      %add3A_274 = arith.addi %add3A_273, %iota3A : vector<16xi32>
      %broadcast_in_dim3A_275 = arith.constant 0 : i32
      %broadcast_in_dim3A_276 = vector.broadcast %broadcast_in_dim3A_275 : i32 to vector<16xi32>
      %gather3A = tpu.vector_load_idx %arg22[%add3A_274, %broadcast_in_dim3A_276] : memref<640x16xf32, #tpu.memory_space<vmem>>[vector<16xi32>, vector<16xi32>], vector<16xf32>,
      %mul3A_277 = arith.constant 16 : i32
      %mul3A_278 = arith.muli %scan3A_270, %mul3A_277 : i32
      %add3A_279 = arith.constant 1920 : i32
      %add3A_280 = arith.addi %add3A_279, %mul3A_278 : i32
      %get3A = arith.index_cast %add3A_280 : i32 to index
      %get3A_281 = tpu.vector_load %arg25[%get3A] {strides = array<i32>} : memref<10000xi32, #tpu.memory_space<vmem>>, vector<16xi32>,
      %shift_right_logical3A = arith.constant 7 : i32
      %shift_right_logical3A_282 = vector.broadcast %shift_right_logical3A : i32 to vector<16xi32>
      %shift_right_logical3A_283 = arith.shrui %get3A_281, %shift_right_logical3A_282 : vector<16xi32>
      %and3A = arith.constant 127 : i32
      %and3A_284 = vector.broadcast %and3A : i32 to vector<16xi32>
      %and3A_285 = arith.andi %get3A_281, %and3A_284 : vector<16xi32>
      tpu.vector_store_idx %arg26[%shift_right_logical3A_283, %and3A_285], %gather3A {add = true} : memref<8x128xf32, #tpu.memory_space<vmem>>[vector<16xi32>, vector<16xi32>], vector<16xf32>,
      tpu.vector_store_idx %arg27[%shift_right_logical3A_283, %and3A_285], %broadcast_in_dim3A_98 {add = true} : memref<8x128xf32, #tpu.memory_space<vmem>>[vector<16xi32>, vector<16xi32>], vector<16xf32>,
    }
    %scan3A_139 = arith.constant 40 : i32
    %dma_start3A_140 = arith.constant 0 : i32
    %dma_start3A_141 = arith.constant 0 : i32
    %dma_start3A_142 = tpu.memref_slice %arg2[%dma_start3A_140, %dma_start3A_141] : memref<2560000x16xf32, #tpu.memory_space<hbm>> -> memref<2560000x16xf32, #tpu.memory_space<hbm>>
    tpu.enqueue_indirect_dma source(%dma_start3A_142 : memref<2560000x16xf32, #tpu.memory_space<hbm>>) target(%arg22 : memref<640x16xf32, #tpu.memory_space<vmem>>) offsets(%arg12 : memref<640xi32, #tpu.memory_space<vmem>>) semaphore(%arg29 : memref<!tpu.dma_semaphore, #tpu.memory_space<semaphore_mem>>)
    %dma_wait3A_143 = arith.constant 0 : i32
    %dma_wait3A_144 = arith.constant 0 : i32
    %dma_wait3A_145 = tpu.memref_slice %arg2[%dma_wait3A_143, %dma_wait3A_144] : memref<2560000x16xf32, #tpu.memory_space<hbm>> -> memref<2560000x16xf32, #tpu.memory_space<hbm>>
    tpu.wait_indirect_dma semaphore(%arg30 : memref<!tpu.dma_semaphore, #tpu.memory_space<semaphore_mem>>) src(%dma_wait3A_145 : memref<2560000x16xf32, #tpu.memory_space<hbm>>) dst(%arg23 : memref<640x16xf32, #tpu.memory_space<vmem>>)
    %scan3A_146 = arith.constant 0 : i32
    %scan3A_147 = arith.constant 40 : i32
    %scan3A_148 = arith.addi %scan3A_146, %scan3A_147 : i32
    %scan3A_149 = arith.constant 1 : i32
    scf.for %scan3A_270 = %scan3A_146 to %scan3A_148 step %scan3A_149  : i32 {
      %mul3A_271 = arith.constant 16 : i32
      %mul3A_272 = arith.muli %scan3A_270, %mul3A_271 : i32
      %add3A_273 = vector.broadcast %mul3A_272 : i32 to vector<16xi32>
      %add3A_274 = arith.addi %add3A_273, %iota3A : vector<16xi32>
      %broadcast_in_dim3A_275 = arith.constant 0 : i32
      %broadcast_in_dim3A_276 = vector.broadcast %broadcast_in_dim3A_275 : i32 to vector<16xi32>
      %gather3A = tpu.vector_load_idx %arg23[%add3A_274, %broadcast_in_dim3A_276] : memref<640x16xf32, #tpu.memory_space<vmem>>[vector<16xi32>, vector<16xi32>], vector<16xf32>,
      %mul3A_277 = arith.constant 16 : i32
      %mul3A_278 = arith.muli %scan3A_270, %mul3A_277 : i32
      %add3A_279 = arith.constant 2560 : i32
      %add3A_280 = arith.addi %add3A_279, %mul3A_278 : i32
      %get3A = arith.index_cast %add3A_280 : i32 to index
      %get3A_281 = tpu.vector_load %arg25[%get3A] {strides = array<i32>} : memref<10000xi32, #tpu.memory_space<vmem>>, vector<16xi32>,
      %shift_right_logical3A = arith.constant 7 : i32
      %shift_right_logical3A_282 = vector.broadcast %shift_right_logical3A : i32 to vector<16xi32>
      %shift_right_logical3A_283 = arith.shrui %get3A_281, %shift_right_logical3A_282 : vector<16xi32>
      %and3A = arith.constant 127 : i32
      %and3A_284 = vector.broadcast %and3A : i32 to vector<16xi32>
      %and3A_285 = arith.andi %get3A_281, %and3A_284 : vector<16xi32>
      tpu.vector_store_idx %arg26[%shift_right_logical3A_283, %and3A_285], %gather3A {add = true} : memref<8x128xf32, #tpu.memory_space<vmem>>[vector<16xi32>, vector<16xi32>], vector<16xf32>,
      tpu.vector_store_idx %arg27[%shift_right_logical3A_283, %and3A_285], %broadcast_in_dim3A_98 {add = true} : memref<8x128xf32, #tpu.memory_space<vmem>>[vector<16xi32>, vector<16xi32>], vector<16xf32>,
    }
    %scan3A_150 = arith.constant 40 : i32
    %dma_start3A_151 = arith.constant 0 : i32
    %dma_start3A_152 = arith.constant 0 : i32
    %dma_start3A_153 = tpu.memref_slice %arg2[%dma_start3A_151, %dma_start3A_152] : memref<2560000x16xf32, #tpu.memory_space<hbm>> -> memref<2560000x16xf32, #tpu.memory_space<hbm>>
    tpu.enqueue_indirect_dma source(%dma_start3A_153 : memref<2560000x16xf32, #tpu.memory_space<hbm>>) target(%arg23 : memref<640x16xf32, #tpu.memory_space<vmem>>) offsets(%arg13 : memref<640xi32, #tpu.memory_space<vmem>>) semaphore(%arg30 : memref<!tpu.dma_semaphore, #tpu.memory_space<semaphore_mem>>)
    %dma_wait3A_154 = arith.constant 0 : i32
    %dma_wait3A_155 = arith.constant 0 : i32
    %dma_wait3A_156 = tpu.memref_slice %arg2[%dma_wait3A_154, %dma_wait3A_155] : memref<2560000x16xf32, #tpu.memory_space<hbm>> -> memref<2560000x16xf32, #tpu.memory_space<hbm>>
    tpu.wait_indirect_dma semaphore(%arg31 : memref<!tpu.dma_semaphore, #tpu.memory_space<semaphore_mem>>) src(%dma_wait3A_156 : memref<2560000x16xf32, #tpu.memory_space<hbm>>) dst(%arg24 : memref<640x16xf32, #tpu.memory_space<vmem>>)
    %scan3A_157 = arith.constant 0 : i32
    %scan3A_158 = arith.constant 40 : i32
    %scan3A_159 = arith.addi %scan3A_157, %scan3A_158 : i32
    %scan3A_160 = arith.constant 1 : i32
    scf.for %scan3A_270 = %scan3A_157 to %scan3A_159 step %scan3A_160  : i32 {
      %mul3A_271 = arith.constant 16 : i32
      %mul3A_272 = arith.muli %scan3A_270, %mul3A_271 : i32
      %add3A_273 = vector.broadcast %mul3A_272 : i32 to vector<16xi32>
      %add3A_274 = arith.addi %add3A_273, %iota3A : vector<16xi32>
      %broadcast_in_dim3A_275 = arith.constant 0 : i32
      %broadcast_in_dim3A_276 = vector.broadcast %broadcast_in_dim3A_275 : i32 to vector<16xi32>
      %gather3A = tpu.vector_load_idx %arg24[%add3A_274, %broadcast_in_dim3A_276] : memref<640x16xf32, #tpu.memory_space<vmem>>[vector<16xi32>, vector<16xi32>], vector<16xf32>,
      %mul3A_277 = arith.constant 16 : i32
      %mul3A_278 = arith.muli %scan3A_270, %mul3A_277 : i32
      %add3A_279 = arith.constant 3200 : i32
      %add3A_280 = arith.addi %add3A_279, %mul3A_278 : i32
      %get3A = arith.index_cast %add3A_280 : i32 to index
      %get3A_281 = tpu.vector_load %arg25[%get3A] {strides = array<i32>} : memref<10000xi32, #tpu.memory_space<vmem>>, vector<16xi32>,
      %shift_right_logical3A = arith.constant 7 : i32
      %shift_right_logical3A_282 = vector.broadcast %shift_right_logical3A : i32 to vector<16xi32>
      %shift_right_logical3A_283 = arith.shrui %get3A_281, %shift_right_logical3A_282 : vector<16xi32>
      %and3A = arith.constant 127 : i32
      %and3A_284 = vector.broadcast %and3A : i32 to vector<16xi32>
      %and3A_285 = arith.andi %get3A_281, %and3A_284 : vector<16xi32>
      tpu.vector_store_idx %arg26[%shift_right_logical3A_283, %and3A_285], %gather3A {add = true} : memref<8x128xf32, #tpu.memory_space<vmem>>[vector<16xi32>, vector<16xi32>], vector<16xf32>,
      tpu.vector_store_idx %arg27[%shift_right_logical3A_283, %and3A_285], %broadcast_in_dim3A_98 {add = true} : memref<8x128xf32, #tpu.memory_space<vmem>>[vector<16xi32>, vector<16xi32>], vector<16xf32>,
    }
    %scan3A_161 = arith.constant 40 : i32
    %dma_start3A_162 = arith.constant 0 : i32
    %dma_start3A_163 = arith.constant 0 : i32
    %dma_start3A_164 = tpu.memref_slice %arg2[%dma_start3A_162, %dma_start3A_163] : memref<2560000x16xf32, #tpu.memory_space<hbm>> -> memref<2560000x16xf32, #tpu.memory_space<hbm>>
    tpu.enqueue_indirect_dma source(%dma_start3A_164 : memref<2560000x16xf32, #tpu.memory_space<hbm>>) target(%arg24 : memref<640x16xf32, #tpu.memory_space<vmem>>) offsets(%arg14 : memref<640xi32, #tpu.memory_space<vmem>>) semaphore(%arg31 : memref<!tpu.dma_semaphore, #tpu.memory_space<semaphore_mem>>)
    %dma_wait3A_165 = arith.constant 0 : i32
    %dma_wait3A_166 = arith.constant 0 : i32
    %dma_wait3A_167 = tpu.memref_slice %arg2[%dma_wait3A_165, %dma_wait3A_166] : memref<2560000x16xf32, #tpu.memory_space<hbm>> -> memref<2560000x16xf32, #tpu.memory_space<hbm>>
    tpu.wait_indirect_dma semaphore(%arg29 : memref<!tpu.dma_semaphore, #tpu.memory_space<semaphore_mem>>) src(%dma_wait3A_167 : memref<2560000x16xf32, #tpu.memory_space<hbm>>) dst(%arg22 : memref<640x16xf32, #tpu.memory_space<vmem>>)
    %scan3A_168 = arith.constant 0 : i32
    %scan3A_169 = arith.constant 40 : i32
    %scan3A_170 = arith.addi %scan3A_168, %scan3A_169 : i32
    %scan3A_171 = arith.constant 1 : i32
    scf.for %scan3A_270 = %scan3A_168 to %scan3A_170 step %scan3A_171  : i32 {
      %mul3A_271 = arith.constant 16 : i32
      %mul3A_272 = arith.muli %scan3A_270, %mul3A_271 : i32
      %add3A_273 = vector.broadcast %mul3A_272 : i32 to vector<16xi32>
      %add3A_274 = arith.addi %add3A_273, %iota3A : vector<16xi32>
      %broadcast_in_dim3A_275 = arith.constant 0 : i32
      %broadcast_in_dim3A_276 = vector.broadcast %broadcast_in_dim3A_275 : i32 to vector<16xi32>
      %gather3A = tpu.vector_load_idx %arg22[%add3A_274, %broadcast_in_dim3A_276] : memref<640x16xf32, #tpu.memory_space<vmem>>[vector<16xi32>, vector<16xi32>], vector<16xf32>,
      %mul3A_277 = arith.constant 16 : i32
      %mul3A_278 = arith.muli %scan3A_270, %mul3A_277 : i32
      %add3A_279 = arith.constant 3840 : i32
      %add3A_280 = arith.addi %add3A_279, %mul3A_278 : i32
      %get3A = arith.index_cast %add3A_280 : i32 to index
      %get3A_281 = tpu.vector_load %arg25[%get3A] {strides = array<i32>} : memref<10000xi32, #tpu.memory_space<vmem>>, vector<16xi32>,
      %shift_right_logical3A = arith.constant 7 : i32
      %shift_right_logical3A_282 = vector.broadcast %shift_right_logical3A : i32 to vector<16xi32>
      %shift_right_logical3A_283 = arith.shrui %get3A_281, %shift_right_logical3A_282 : vector<16xi32>
      %and3A = arith.constant 127 : i32
      %and3A_284 = vector.broadcast %and3A : i32 to vector<16xi32>
      %and3A_285 = arith.andi %get3A_281, %and3A_284 : vector<16xi32>
      tpu.vector_store_idx %arg26[%shift_right_logical3A_283, %and3A_285], %gather3A {add = true} : memref<8x128xf32, #tpu.memory_space<vmem>>[vector<16xi32>, vector<16xi32>], vector<16xf32>,
      tpu.vector_store_idx %arg27[%shift_right_logical3A_283, %and3A_285], %broadcast_in_dim3A_98 {add = true} : memref<8x128xf32, #tpu.memory_space<vmem>>[vector<16xi32>, vector<16xi32>], vector<16xf32>,
    }
    %scan3A_172 = arith.constant 40 : i32
    %dma_start3A_173 = arith.constant 0 : i32
    %dma_start3A_174 = arith.constant 0 : i32
    %dma_start3A_175 = tpu.memref_slice %arg2[%dma_start3A_173, %dma_start3A_174] : memref<2560000x16xf32, #tpu.memory_space<hbm>> -> memref<2560000x16xf32, #tpu.memory_space<hbm>>
    tpu.enqueue_indirect_dma source(%dma_start3A_175 : memref<2560000x16xf32, #tpu.memory_space<hbm>>) target(%arg22 : memref<640x16xf32, #tpu.memory_space<vmem>>) offsets(%arg15 : memref<640xi32, #tpu.memory_space<vmem>>) semaphore(%arg29 : memref<!tpu.dma_semaphore, #tpu.memory_space<semaphore_mem>>)
    %dma_wait3A_176 = arith.constant 0 : i32
    %dma_wait3A_177 = arith.constant 0 : i32
    %dma_wait3A_178 = tpu.memref_slice %arg2[%dma_wait3A_176, %dma_wait3A_177] : memref<2560000x16xf32, #tpu.memory_space<hbm>> -> memref<2560000x16xf32, #tpu.memory_space<hbm>>
    tpu.wait_indirect_dma semaphore(%arg30 : memref<!tpu.dma_semaphore, #tpu.memory_space<semaphore_mem>>) src(%dma_wait3A_178 : memref<2560000x16xf32, #tpu.memory_space<hbm>>) dst(%arg23 : memref<640x16xf32, #tpu.memory_space<vmem>>)
    %scan3A_179 = arith.constant 0 : i32
    %scan3A_180 = arith.constant 40 : i32
    %scan3A_181 = arith.addi %scan3A_179, %scan3A_180 : i32
    %scan3A_182 = arith.constant 1 : i32
    scf.for %scan3A_270 = %scan3A_179 to %scan3A_181 step %scan3A_182  : i32 {
      %mul3A_271 = arith.constant 16 : i32
      %mul3A_272 = arith.muli %scan3A_270, %mul3A_271 : i32
      %add3A_273 = vector.broadcast %mul3A_272 : i32 to vector<16xi32>
      %add3A_274 = arith.addi %add3A_273, %iota3A : vector<16xi32>
      %broadcast_in_dim3A_275 = arith.constant 0 : i32
      %broadcast_in_dim3A_276 = vector.broadcast %broadcast_in_dim3A_275 : i32 to vector<16xi32>
      %gather3A = tpu.vector_load_idx %arg23[%add3A_274, %broadcast_in_dim3A_276] : memref<640x16xf32, #tpu.memory_space<vmem>>[vector<16xi32>, vector<16xi32>], vector<16xf32>,
      %mul3A_277 = arith.constant 16 : i32
      %mul3A_278 = arith.muli %scan3A_270, %mul3A_277 : i32
      %add3A_279 = arith.constant 4480 : i32
      %add3A_280 = arith.addi %add3A_279, %mul3A_278 : i32
      %get3A = arith.index_cast %add3A_280 : i32 to index
      %get3A_281 = tpu.vector_load %arg25[%get3A] {strides = array<i32>} : memref<10000xi32, #tpu.memory_space<vmem>>, vector<16xi32>,
      %shift_right_logical3A = arith.constant 7 : i32
      %shift_right_logical3A_282 = vector.broadcast %shift_right_logical3A : i32 to vector<16xi32>
      %shift_right_logical3A_283 = arith.shrui %get3A_281, %shift_right_logical3A_282 : vector<16xi32>
      %and3A = arith.constant 127 : i32
      %and3A_284 = vector.broadcast %and3A : i32 to vector<16xi32>
      %and3A_285 = arith.andi %get3A_281, %and3A_284 : vector<16xi32>
      tpu.vector_store_idx %arg26[%shift_right_logical3A_283, %and3A_285], %gather3A {add = true} : memref<8x128xf32, #tpu.memory_space<vmem>>[vector<16xi32>, vector<16xi32>], vector<16xf32>,
      tpu.vector_store_idx %arg27[%shift_right_logical3A_283, %and3A_285], %broadcast_in_dim3A_98 {add = true} : memref<8x128xf32, #tpu.memory_space<vmem>>[vector<16xi32>, vector<16xi32>], vector<16xf32>,
    }
    %scan3A_183 = arith.constant 40 : i32
    %dma_start3A_184 = arith.constant 0 : i32
    %dma_start3A_185 = arith.constant 0 : i32
    %dma_start3A_186 = tpu.memref_slice %arg2[%dma_start3A_184, %dma_start3A_185] : memref<2560000x16xf32, #tpu.memory_space<hbm>> -> memref<2560000x16xf32, #tpu.memory_space<hbm>>
    tpu.enqueue_indirect_dma source(%dma_start3A_186 : memref<2560000x16xf32, #tpu.memory_space<hbm>>) target(%arg23 : memref<640x16xf32, #tpu.memory_space<vmem>>) offsets(%arg16 : memref<640xi32, #tpu.memory_space<vmem>>) semaphore(%arg30 : memref<!tpu.dma_semaphore, #tpu.memory_space<semaphore_mem>>)
    %dma_wait3A_187 = arith.constant 0 : i32
    %dma_wait3A_188 = arith.constant 0 : i32
    %dma_wait3A_189 = tpu.memref_slice %arg2[%dma_wait3A_187, %dma_wait3A_188] : memref<2560000x16xf32, #tpu.memory_space<hbm>> -> memref<2560000x16xf32, #tpu.memory_space<hbm>>
    tpu.wait_indirect_dma semaphore(%arg31 : memref<!tpu.dma_semaphore, #tpu.memory_space<semaphore_mem>>) src(%dma_wait3A_189 : memref<2560000x16xf32, #tpu.memory_space<hbm>>) dst(%arg24 : memref<640x16xf32, #tpu.memory_space<vmem>>)
    %scan3A_190 = arith.constant 0 : i32
    %scan3A_191 = arith.constant 40 : i32
    %scan3A_192 = arith.addi %scan3A_190, %scan3A_191 : i32
    %scan3A_193 = arith.constant 1 : i32
    scf.for %scan3A_270 = %scan3A_190 to %scan3A_192 step %scan3A_193  : i32 {
      %mul3A_271 = arith.constant 16 : i32
      %mul3A_272 = arith.muli %scan3A_270, %mul3A_271 : i32
      %add3A_273 = vector.broadcast %mul3A_272 : i32 to vector<16xi32>
      %add3A_274 = arith.addi %add3A_273, %iota3A : vector<16xi32>
      %broadcast_in_dim3A_275 = arith.constant 0 : i32
      %broadcast_in_dim3A_276 = vector.broadcast %broadcast_in_dim3A_275 : i32 to vector<16xi32>
      %gather3A = tpu.vector_load_idx %arg24[%add3A_274, %broadcast_in_dim3A_276] : memref<640x16xf32, #tpu.memory_space<vmem>>[vector<16xi32>, vector<16xi32>], vector<16xf32>,
      %mul3A_277 = arith.constant 16 : i32
      %mul3A_278 = arith.muli %scan3A_270, %mul3A_277 : i32
      %add3A_279 = arith.constant 5120 : i32
      %add3A_280 = arith.addi %add3A_279, %mul3A_278 : i32
      %get3A = arith.index_cast %add3A_280 : i32 to index
      %get3A_281 = tpu.vector_load %arg25[%get3A] {strides = array<i32>} : memref<10000xi32, #tpu.memory_space<vmem>>, vector<16xi32>,
      %shift_right_logical3A = arith.constant 7 : i32
      %shift_right_logical3A_282 = vector.broadcast %shift_right_logical3A : i32 to vector<16xi32>
      %shift_right_logical3A_283 = arith.shrui %get3A_281, %shift_right_logical3A_282 : vector<16xi32>
      %and3A = arith.constant 127 : i32
      %and3A_284 = vector.broadcast %and3A : i32 to vector<16xi32>
      %and3A_285 = arith.andi %get3A_281, %and3A_284 : vector<16xi32>
      tpu.vector_store_idx %arg26[%shift_right_logical3A_283, %and3A_285], %gather3A {add = true} : memref<8x128xf32, #tpu.memory_space<vmem>>[vector<16xi32>, vector<16xi32>], vector<16xf32>,
      tpu.vector_store_idx %arg27[%shift_right_logical3A_283, %and3A_285], %broadcast_in_dim3A_98 {add = true} : memref<8x128xf32, #tpu.memory_space<vmem>>[vector<16xi32>, vector<16xi32>], vector<16xf32>,
    }
    %scan3A_194 = arith.constant 40 : i32
    %dma_start3A_195 = arith.constant 0 : i32
    %dma_start3A_196 = arith.constant 0 : i32
    %dma_start3A_197 = tpu.memref_slice %arg2[%dma_start3A_195, %dma_start3A_196] : memref<2560000x16xf32, #tpu.memory_space<hbm>> -> memref<2560000x16xf32, #tpu.memory_space<hbm>>
    tpu.enqueue_indirect_dma source(%dma_start3A_197 : memref<2560000x16xf32, #tpu.memory_space<hbm>>) target(%arg24 : memref<640x16xf32, #tpu.memory_space<vmem>>) offsets(%arg17 : memref<640xi32, #tpu.memory_space<vmem>>) semaphore(%arg31 : memref<!tpu.dma_semaphore, #tpu.memory_space<semaphore_mem>>)
    %dma_wait3A_198 = arith.constant 0 : i32
    %dma_wait3A_199 = arith.constant 0 : i32
    %dma_wait3A_200 = tpu.memref_slice %arg2[%dma_wait3A_198, %dma_wait3A_199] : memref<2560000x16xf32, #tpu.memory_space<hbm>> -> memref<2560000x16xf32, #tpu.memory_space<hbm>>
    tpu.wait_indirect_dma semaphore(%arg29 : memref<!tpu.dma_semaphore, #tpu.memory_space<semaphore_mem>>) src(%dma_wait3A_200 : memref<2560000x16xf32, #tpu.memory_space<hbm>>) dst(%arg22 : memref<640x16xf32, #tpu.memory_space<vmem>>)
    %scan3A_201 = arith.constant 0 : i32
    %scan3A_202 = arith.constant 40 : i32
    %scan3A_203 = arith.addi %scan3A_201, %scan3A_202 : i32
    %scan3A_204 = arith.constant 1 : i32
    scf.for %scan3A_270 = %scan3A_201 to %scan3A_203 step %scan3A_204  : i32 {
      %mul3A_271 = arith.constant 16 : i32
      %mul3A_272 = arith.muli %scan3A_270, %mul3A_271 : i32
      %add3A_273 = vector.broadcast %mul3A_272 : i32 to vector<16xi32>
      %add3A_274 = arith.addi %add3A_273, %iota3A : vector<16xi32>
      %broadcast_in_dim3A_275 = arith.constant 0 : i32
      %broadcast_in_dim3A_276 = vector.broadcast %broadcast_in_dim3A_275 : i32 to vector<16xi32>
      %gather3A = tpu.vector_load_idx %arg22[%add3A_274, %broadcast_in_dim3A_276] : memref<640x16xf32, #tpu.memory_space<vmem>>[vector<16xi32>, vector<16xi32>], vector<16xf32>,
      %mul3A_277 = arith.constant 16 : i32
      %mul3A_278 = arith.muli %scan3A_270, %mul3A_277 : i32
      %add3A_279 = arith.constant 5760 : i32
      %add3A_280 = arith.addi %add3A_279, %mul3A_278 : i32
      %get3A = arith.index_cast %add3A_280 : i32 to index
      %get3A_281 = tpu.vector_load %arg25[%get3A] {strides = array<i32>} : memref<10000xi32, #tpu.memory_space<vmem>>, vector<16xi32>,
      %shift_right_logical3A = arith.constant 7 : i32
      %shift_right_logical3A_282 = vector.broadcast %shift_right_logical3A : i32 to vector<16xi32>
      %shift_right_logical3A_283 = arith.shrui %get3A_281, %shift_right_logical3A_282 : vector<16xi32>
      %and3A = arith.constant 127 : i32
      %and3A_284 = vector.broadcast %and3A : i32 to vector<16xi32>
      %and3A_285 = arith.andi %get3A_281, %and3A_284 : vector<16xi32>
      tpu.vector_store_idx %arg26[%shift_right_logical3A_283, %and3A_285], %gather3A {add = true} : memref<8x128xf32, #tpu.memory_space<vmem>>[vector<16xi32>, vector<16xi32>], vector<16xf32>,
      tpu.vector_store_idx %arg27[%shift_right_logical3A_283, %and3A_285], %broadcast_in_dim3A_98 {add = true} : memref<8x128xf32, #tpu.memory_space<vmem>>[vector<16xi32>, vector<16xi32>], vector<16xf32>,
    }
    %scan3A_205 = arith.constant 40 : i32
    %dma_start3A_206 = arith.constant 0 : i32
    %dma_start3A_207 = arith.constant 0 : i32
    %dma_start3A_208 = tpu.memref_slice %arg2[%dma_start3A_206, %dma_start3A_207] : memref<2560000x16xf32, #tpu.memory_space<hbm>> -> memref<2560000x16xf32, #tpu.memory_space<hbm>>
    tpu.enqueue_indirect_dma source(%dma_start3A_208 : memref<2560000x16xf32, #tpu.memory_space<hbm>>) target(%arg22 : memref<640x16xf32, #tpu.memory_space<vmem>>) offsets(%arg18 : memref<640xi32, #tpu.memory_space<vmem>>) semaphore(%arg29 : memref<!tpu.dma_semaphore, #tpu.memory_space<semaphore_mem>>)
    %dma_wait3A_209 = arith.constant 0 : i32
    %dma_wait3A_210 = arith.constant 0 : i32
    %dma_wait3A_211 = tpu.memref_slice %arg2[%dma_wait3A_209, %dma_wait3A_210] : memref<2560000x16xf32, #tpu.memory_space<hbm>> -> memref<2560000x16xf32, #tpu.memory_space<hbm>>
    tpu.wait_indirect_dma semaphore(%arg30 : memref<!tpu.dma_semaphore, #tpu.memory_space<semaphore_mem>>) src(%dma_wait3A_211 : memref<2560000x16xf32, #tpu.memory_space<hbm>>) dst(%arg23 : memref<640x16xf32, #tpu.memory_space<vmem>>)
    %scan3A_212 = arith.constant 0 : i32
    %scan3A_213 = arith.constant 40 : i32
    %scan3A_214 = arith.addi %scan3A_212, %scan3A_213 : i32
    %scan3A_215 = arith.constant 1 : i32
    scf.for %scan3A_270 = %scan3A_212 to %scan3A_214 step %scan3A_215  : i32 {
      %mul3A_271 = arith.constant 16 : i32
      %mul3A_272 = arith.muli %scan3A_270, %mul3A_271 : i32
      %add3A_273 = vector.broadcast %mul3A_272 : i32 to vector<16xi32>
      %add3A_274 = arith.addi %add3A_273, %iota3A : vector<16xi32>
      %broadcast_in_dim3A_275 = arith.constant 0 : i32
      %broadcast_in_dim3A_276 = vector.broadcast %broadcast_in_dim3A_275 : i32 to vector<16xi32>
      %gather3A = tpu.vector_load_idx %arg23[%add3A_274, %broadcast_in_dim3A_276] : memref<640x16xf32, #tpu.memory_space<vmem>>[vector<16xi32>, vector<16xi32>], vector<16xf32>,
      %mul3A_277 = arith.constant 16 : i32
      %mul3A_278 = arith.muli %scan3A_270, %mul3A_277 : i32
      %add3A_279 = arith.constant 6400 : i32
      %add3A_280 = arith.addi %add3A_279, %mul3A_278 : i32
      %get3A = arith.index_cast %add3A_280 : i32 to index
      %get3A_281 = tpu.vector_load %arg25[%get3A] {strides = array<i32>} : memref<10000xi32, #tpu.memory_space<vmem>>, vector<16xi32>,
      %shift_right_logical3A = arith.constant 7 : i32
      %shift_right_logical3A_282 = vector.broadcast %shift_right_logical3A : i32 to vector<16xi32>
      %shift_right_logical3A_283 = arith.shrui %get3A_281, %shift_right_logical3A_282 : vector<16xi32>
      %and3A = arith.constant 127 : i32
      %and3A_284 = vector.broadcast %and3A : i32 to vector<16xi32>
      %and3A_285 = arith.andi %get3A_281, %and3A_284 : vector<16xi32>
      tpu.vector_store_idx %arg26[%shift_right_logical3A_283, %and3A_285], %gather3A {add = true} : memref<8x128xf32, #tpu.memory_space<vmem>>[vector<16xi32>, vector<16xi32>], vector<16xf32>,
      tpu.vector_store_idx %arg27[%shift_right_logical3A_283, %and3A_285], %broadcast_in_dim3A_98 {add = true} : memref<8x128xf32, #tpu.memory_space<vmem>>[vector<16xi32>, vector<16xi32>], vector<16xf32>,
    }
    %scan3A_216 = arith.constant 40 : i32
    %dma_start3A_217 = arith.constant 0 : i32
    %dma_start3A_218 = arith.constant 0 : i32
    %dma_start3A_219 = tpu.memref_slice %arg2[%dma_start3A_217, %dma_start3A_218] : memref<2560000x16xf32, #tpu.memory_space<hbm>> -> memref<2560000x16xf32, #tpu.memory_space<hbm>>
    tpu.enqueue_indirect_dma source(%dma_start3A_219 : memref<2560000x16xf32, #tpu.memory_space<hbm>>) target(%arg23 : memref<640x16xf32, #tpu.memory_space<vmem>>) offsets(%arg19 : memref<640xi32, #tpu.memory_space<vmem>>) semaphore(%arg30 : memref<!tpu.dma_semaphore, #tpu.memory_space<semaphore_mem>>)
    %dma_wait3A_220 = arith.constant 0 : i32
    %dma_wait3A_221 = arith.constant 0 : i32
    %dma_wait3A_222 = tpu.memref_slice %arg2[%dma_wait3A_220, %dma_wait3A_221] : memref<2560000x16xf32, #tpu.memory_space<hbm>> -> memref<2560000x16xf32, #tpu.memory_space<hbm>>
    tpu.wait_indirect_dma semaphore(%arg31 : memref<!tpu.dma_semaphore, #tpu.memory_space<semaphore_mem>>) src(%dma_wait3A_222 : memref<2560000x16xf32, #tpu.memory_space<hbm>>) dst(%arg24 : memref<640x16xf32, #tpu.memory_space<vmem>>)
    %scan3A_223 = arith.constant 0 : i32
    %scan3A_224 = arith.constant 40 : i32
    %scan3A_225 = arith.addi %scan3A_223, %scan3A_224 : i32
    %scan3A_226 = arith.constant 1 : i32
    scf.for %scan3A_270 = %scan3A_223 to %scan3A_225 step %scan3A_226  : i32 {
      %mul3A_271 = arith.constant 16 : i32
      %mul3A_272 = arith.muli %scan3A_270, %mul3A_271 : i32
      %add3A_273 = vector.broadcast %mul3A_272 : i32 to vector<16xi32>
      %add3A_274 = arith.addi %add3A_273, %iota3A : vector<16xi32>
      %broadcast_in_dim3A_275 = arith.constant 0 : i32
      %broadcast_in_dim3A_276 = vector.broadcast %broadcast_in_dim3A_275 : i32 to vector<16xi32>
      %gather3A = tpu.vector_load_idx %arg24[%add3A_274, %broadcast_in_dim3A_276] : memref<640x16xf32, #tpu.memory_space<vmem>>[vector<16xi32>, vector<16xi32>], vector<16xf32>,
      %mul3A_277 = arith.constant 16 : i32
      %mul3A_278 = arith.muli %scan3A_270, %mul3A_277 : i32
      %add3A_279 = arith.constant 7040 : i32
      %add3A_280 = arith.addi %add3A_279, %mul3A_278 : i32
      %get3A = arith.index_cast %add3A_280 : i32 to index
      %get3A_281 = tpu.vector_load %arg25[%get3A] {strides = array<i32>} : memref<10000xi32, #tpu.memory_space<vmem>>, vector<16xi32>,
      %shift_right_logical3A = arith.constant 7 : i32
      %shift_right_logical3A_282 = vector.broadcast %shift_right_logical3A : i32 to vector<16xi32>
      %shift_right_logical3A_283 = arith.shrui %get3A_281, %shift_right_logical3A_282 : vector<16xi32>
      %and3A = arith.constant 127 : i32
      %and3A_284 = vector.broadcast %and3A : i32 to vector<16xi32>
      %and3A_285 = arith.andi %get3A_281, %and3A_284 : vector<16xi32>
      tpu.vector_store_idx %arg26[%shift_right_logical3A_283, %and3A_285], %gather3A {add = true} : memref<8x128xf32, #tpu.memory_space<vmem>>[vector<16xi32>, vector<16xi32>], vector<16xf32>,
      tpu.vector_store_idx %arg27[%shift_right_logical3A_283, %and3A_285], %broadcast_in_dim3A_98 {add = true} : memref<8x128xf32, #tpu.memory_space<vmem>>[vector<16xi32>, vector<16xi32>], vector<16xf32>,
    }
    %scan3A_227 = arith.constant 40 : i32
    %dma_start3A_228 = arith.constant 0 : i32
    %dma_start3A_229 = arith.constant 0 : i32
    %dma_start3A_230 = tpu.memref_slice %arg2[%dma_start3A_228, %dma_start3A_229] : memref<2560000x16xf32, #tpu.memory_space<hbm>> -> memref<2560000x16xf32, #tpu.memory_space<hbm>>
    tpu.enqueue_indirect_dma source(%dma_start3A_230 : memref<2560000x16xf32, #tpu.memory_space<hbm>>) target(%arg24 : memref<640x16xf32, #tpu.memory_space<vmem>>) offsets(%arg20 : memref<640xi32, #tpu.memory_space<vmem>>) semaphore(%arg31 : memref<!tpu.dma_semaphore, #tpu.memory_space<semaphore_mem>>)
    %dma_wait3A_231 = arith.constant 0 : i32
    %dma_wait3A_232 = arith.constant 0 : i32
    %dma_wait3A_233 = tpu.memref_slice %arg2[%dma_wait3A_231, %dma_wait3A_232] : memref<2560000x16xf32, #tpu.memory_space<hbm>> -> memref<2560000x16xf32, #tpu.memory_space<hbm>>
    tpu.wait_indirect_dma semaphore(%arg29 : memref<!tpu.dma_semaphore, #tpu.memory_space<semaphore_mem>>) src(%dma_wait3A_233 : memref<2560000x16xf32, #tpu.memory_space<hbm>>) dst(%arg22 : memref<640x16xf32, #tpu.memory_space<vmem>>)
    %scan3A_234 = arith.constant 0 : i32
    %scan3A_235 = arith.constant 40 : i32
    %scan3A_236 = arith.addi %scan3A_234, %scan3A_235 : i32
    %scan3A_237 = arith.constant 1 : i32
    scf.for %scan3A_270 = %scan3A_234 to %scan3A_236 step %scan3A_237  : i32 {
      %mul3A_271 = arith.constant 16 : i32
      %mul3A_272 = arith.muli %scan3A_270, %mul3A_271 : i32
      %add3A_273 = vector.broadcast %mul3A_272 : i32 to vector<16xi32>
      %add3A_274 = arith.addi %add3A_273, %iota3A : vector<16xi32>
      %broadcast_in_dim3A_275 = arith.constant 0 : i32
      %broadcast_in_dim3A_276 = vector.broadcast %broadcast_in_dim3A_275 : i32 to vector<16xi32>
      %gather3A = tpu.vector_load_idx %arg22[%add3A_274, %broadcast_in_dim3A_276] : memref<640x16xf32, #tpu.memory_space<vmem>>[vector<16xi32>, vector<16xi32>], vector<16xf32>,
      %mul3A_277 = arith.constant 16 : i32
      %mul3A_278 = arith.muli %scan3A_270, %mul3A_277 : i32
      %add3A_279 = arith.constant 7680 : i32
      %add3A_280 = arith.addi %add3A_279, %mul3A_278 : i32
      %get3A = arith.index_cast %add3A_280 : i32 to index
      %get3A_281 = tpu.vector_load %arg25[%get3A] {strides = array<i32>} : memref<10000xi32, #tpu.memory_space<vmem>>, vector<16xi32>,
      %shift_right_logical3A = arith.constant 7 : i32
      %shift_right_logical3A_282 = vector.broadcast %shift_right_logical3A : i32 to vector<16xi32>
      %shift_right_logical3A_283 = arith.shrui %get3A_281, %shift_right_logical3A_282 : vector<16xi32>
      %and3A = arith.constant 127 : i32
      %and3A_284 = vector.broadcast %and3A : i32 to vector<16xi32>
      %and3A_285 = arith.andi %get3A_281, %and3A_284 : vector<16xi32>
      tpu.vector_store_idx %arg26[%shift_right_logical3A_283, %and3A_285], %gather3A {add = true} : memref<8x128xf32, #tpu.memory_space<vmem>>[vector<16xi32>, vector<16xi32>], vector<16xf32>,
      tpu.vector_store_idx %arg27[%shift_right_logical3A_283, %and3A_285], %broadcast_in_dim3A_98 {add = true} : memref<8x128xf32, #tpu.memory_space<vmem>>[vector<16xi32>, vector<16xi32>], vector<16xf32>,
    }
    %scan3A_238 = arith.constant 40 : i32
    %dma_start3A_239 = arith.constant 0 : i32
    %dma_start3A_240 = arith.constant 0 : i32
    %dma_start3A_241 = tpu.memref_slice %arg2[%dma_start3A_239, %dma_start3A_240] : memref<2560000x16xf32, #tpu.memory_space<hbm>> -> memref<2560000x16xf32, #tpu.memory_space<hbm>>
    tpu.enqueue_indirect_dma source(%dma_start3A_241 : memref<2560000x16xf32, #tpu.memory_space<hbm>>) target(%arg22 : memref<640x16xf32, #tpu.memory_space<vmem>>) offsets(%arg21 : memref<640xi32, #tpu.memory_space<vmem>>) semaphore(%arg29 : memref<!tpu.dma_semaphore, #tpu.memory_space<semaphore_mem>>)
    %dma_wait3A_242 = arith.constant 0 : i32
    %dma_wait3A_243 = arith.constant 0 : i32
    %dma_wait3A_244 = tpu.memref_slice %arg2[%dma_wait3A_242, %dma_wait3A_243] : memref<2560000x16xf32, #tpu.memory_space<hbm>> -> memref<2560000x16xf32, #tpu.memory_space<hbm>>
    tpu.wait_indirect_dma semaphore(%arg30 : memref<!tpu.dma_semaphore, #tpu.memory_space<semaphore_mem>>) src(%dma_wait3A_244 : memref<2560000x16xf32, #tpu.memory_space<hbm>>) dst(%arg23 : memref<640x16xf32, #tpu.memory_space<vmem>>)
    %scan3A_245 = arith.constant 0 : i32
    %scan3A_246 = arith.constant 40 : i32
    %scan3A_247 = arith.addi %scan3A_245, %scan3A_246 : i32
    %scan3A_248 = arith.constant 1 : i32
    scf.for %scan3A_270 = %scan3A_245 to %scan3A_247 step %scan3A_248  : i32 {
      %mul3A_271 = arith.constant 16 : i32
      %mul3A_272 = arith.muli %scan3A_270, %mul3A_271 : i32
      %add3A_273 = vector.broadcast %mul3A_272 : i32 to vector<16xi32>
      %add3A_274 = arith.addi %add3A_273, %iota3A : vector<16xi32>
      %broadcast_in_dim3A_275 = arith.constant 0 : i32
      %broadcast_in_dim3A_276 = vector.broadcast %broadcast_in_dim3A_275 : i32 to vector<16xi32>
      %gather3A = tpu.vector_load_idx %arg23[%add3A_274, %broadcast_in_dim3A_276] : memref<640x16xf32, #tpu.memory_space<vmem>>[vector<16xi32>, vector<16xi32>], vector<16xf32>,
      %mul3A_277 = arith.constant 16 : i32
      %mul3A_278 = arith.muli %scan3A_270, %mul3A_277 : i32
      %add3A_279 = arith.constant 8320 : i32
      %add3A_280 = arith.addi %add3A_279, %mul3A_278 : i32
      %get3A = arith.index_cast %add3A_280 : i32 to index
      %get3A_281 = tpu.vector_load %arg25[%get3A] {strides = array<i32>} : memref<10000xi32, #tpu.memory_space<vmem>>, vector<16xi32>,
      %shift_right_logical3A = arith.constant 7 : i32
      %shift_right_logical3A_282 = vector.broadcast %shift_right_logical3A : i32 to vector<16xi32>
      %shift_right_logical3A_283 = arith.shrui %get3A_281, %shift_right_logical3A_282 : vector<16xi32>
      %and3A = arith.constant 127 : i32
      %and3A_284 = vector.broadcast %and3A : i32 to vector<16xi32>
      %and3A_285 = arith.andi %get3A_281, %and3A_284 : vector<16xi32>
      tpu.vector_store_idx %arg26[%shift_right_logical3A_283, %and3A_285], %gather3A {add = true} : memref<8x128xf32, #tpu.memory_space<vmem>>[vector<16xi32>, vector<16xi32>], vector<16xf32>,
      tpu.vector_store_idx %arg27[%shift_right_logical3A_283, %and3A_285], %broadcast_in_dim3A_98 {add = true} : memref<8x128xf32, #tpu.memory_space<vmem>>[vector<16xi32>, vector<16xi32>], vector<16xf32>,
    }
    %scan3A_249 = arith.constant 40 : i32
    %dma_wait3A_250 = arith.constant 0 : i32
    %dma_wait3A_251 = arith.constant 0 : i32
    %dma_wait3A_252 = tpu.memref_slice %arg2[%dma_wait3A_250, %dma_wait3A_251] : memref<2560000x16xf32, #tpu.memory_space<hbm>> -> memref<2560000x16xf32, #tpu.memory_space<hbm>>
    tpu.wait_indirect_dma semaphore(%arg31 : memref<!tpu.dma_semaphore, #tpu.memory_space<semaphore_mem>>) src(%dma_wait3A_252 : memref<2560000x16xf32, #tpu.memory_space<hbm>>) dst(%arg24 : memref<640x16xf32, #tpu.memory_space<vmem>>)
    %scan3A_253 = arith.constant 0 : i32
    %scan3A_254 = arith.constant 40 : i32
    %scan3A_255 = arith.addi %scan3A_253, %scan3A_254 : i32
    %scan3A_256 = arith.constant 1 : i32
    scf.for %scan3A_270 = %scan3A_253 to %scan3A_255 step %scan3A_256  : i32 {
      %mul3A_271 = arith.constant 16 : i32
      %mul3A_272 = arith.muli %scan3A_270, %mul3A_271 : i32
      %add3A_273 = vector.broadcast %mul3A_272 : i32 to vector<16xi32>
      %add3A_274 = arith.addi %add3A_273, %iota3A : vector<16xi32>
      %broadcast_in_dim3A_275 = arith.constant 0 : i32
      %broadcast_in_dim3A_276 = vector.broadcast %broadcast_in_dim3A_275 : i32 to vector<16xi32>
      %gather3A = tpu.vector_load_idx %arg24[%add3A_274, %broadcast_in_dim3A_276] : memref<640x16xf32, #tpu.memory_space<vmem>>[vector<16xi32>, vector<16xi32>], vector<16xf32>,
      %mul3A_277 = arith.constant 16 : i32
      %mul3A_278 = arith.muli %scan3A_270, %mul3A_277 : i32
      %add3A_279 = arith.constant 8960 : i32
      %add3A_280 = arith.addi %add3A_279, %mul3A_278 : i32
      %get3A = arith.index_cast %add3A_280 : i32 to index
      %get3A_281 = tpu.vector_load %arg25[%get3A] {strides = array<i32>} : memref<10000xi32, #tpu.memory_space<vmem>>, vector<16xi32>,
      %shift_right_logical3A = arith.constant 7 : i32
      %shift_right_logical3A_282 = vector.broadcast %shift_right_logical3A : i32 to vector<16xi32>
      %shift_right_logical3A_283 = arith.shrui %get3A_281, %shift_right_logical3A_282 : vector<16xi32>
      %and3A = arith.constant 127 : i32
      %and3A_284 = vector.broadcast %and3A : i32 to vector<16xi32>
      %and3A_285 = arith.andi %get3A_281, %and3A_284 : vector<16xi32>
      tpu.vector_store_idx %arg26[%shift_right_logical3A_283, %and3A_285], %gather3A {add = true} : memref<8x128xf32, #tpu.memory_space<vmem>>[vector<16xi32>, vector<16xi32>], vector<16xf32>,
      tpu.vector_store_idx %arg27[%shift_right_logical3A_283, %and3A_285], %broadcast_in_dim3A_98 {add = true} : memref<8x128xf32, #tpu.memory_space<vmem>>[vector<16xi32>, vector<16xi32>], vector<16xf32>,
    }
    %scan3A_257 = arith.constant 40 : i32
    %dma_wait3A_258 = arith.constant 0 : i32
    %dma_wait3A_259 = arith.constant 0 : i32
    %dma_wait3A_260 = tpu.memref_slice %arg2[%dma_wait3A_258, %dma_wait3A_259] : memref<2560000x16xf32, #tpu.memory_space<hbm>> -> memref<2560000x16xf32, #tpu.memory_space<hbm>>
    tpu.wait_indirect_dma semaphore(%arg29 : memref<!tpu.dma_semaphore, #tpu.memory_space<semaphore_mem>>) src(%dma_wait3A_260 : memref<2560000x16xf32, #tpu.memory_space<hbm>>) dst(%arg22 : memref<640x16xf32, #tpu.memory_space<vmem>>)
    %scan3A_261 = arith.constant 0 : i32
    %scan3A_262 = arith.constant 25 : i32
    %scan3A_263 = arith.addi %scan3A_261, %scan3A_262 : i32
    %scan3A_264 = arith.constant 1 : i32
    scf.for %scan3A_270 = %scan3A_261 to %scan3A_263 step %scan3A_264  : i32 {
      %mul3A_271 = arith.constant 16 : i32
      %mul3A_272 = arith.muli %scan3A_270, %mul3A_271 : i32
      %add3A_273 = vector.broadcast %mul3A_272 : i32 to vector<16xi32>
      %add3A_274 = arith.addi %add3A_273, %iota3A : vector<16xi32>
      %broadcast_in_dim3A_275 = arith.constant 0 : i32
      %broadcast_in_dim3A_276 = vector.broadcast %broadcast_in_dim3A_275 : i32 to vector<16xi32>
      %gather3A = tpu.vector_load_idx %arg22[%add3A_274, %broadcast_in_dim3A_276] : memref<640x16xf32, #tpu.memory_space<vmem>>[vector<16xi32>, vector<16xi32>], vector<16xf32>,
      %mul3A_277 = arith.constant 16 : i32
      %mul3A_278 = arith.muli %scan3A_270, %mul3A_277 : i32
      %add3A_279 = arith.constant 9600 : i32
      %add3A_280 = arith.addi %add3A_279, %mul3A_278 : i32
      %get3A = arith.index_cast %add3A_280 : i32 to index
      %get3A_281 = tpu.vector_load %arg25[%get3A] {strides = array<i32>} : memref<10000xi32, #tpu.memory_space<vmem>>, vector<16xi32>,
      %shift_right_logical3A = arith.constant 7 : i32
      %shift_right_logical3A_282 = vector.broadcast %shift_right_logical3A : i32 to vector<16xi32>
      %shift_right_logical3A_283 = arith.shrui %get3A_281, %shift_right_logical3A_282 : vector<16xi32>
      %and3A = arith.constant 127 : i32
      %and3A_284 = vector.broadcast %and3A : i32 to vector<16xi32>
      %and3A_285 = arith.andi %get3A_281, %and3A_284 : vector<16xi32>
      tpu.vector_store_idx %arg26[%shift_right_logical3A_283, %and3A_285], %gather3A {add = true} : memref<8x128xf32, #tpu.memory_space<vmem>>[vector<16xi32>, vector<16xi32>], vector<16xf32>,
      tpu.vector_store_idx %arg27[%shift_right_logical3A_283, %and3A_285], %broadcast_in_dim3A_98 {add = true} : memref<8x128xf32, #tpu.memory_space<vmem>>[vector<16xi32>, vector<16xi32>], vector<16xf32>,
    }
    %scan3A_265 = arith.constant 25 : i32
    %mul3A_266 = arith.constant 8 : i32
    %mul3A_267 = arith.muli %add3A, %mul3A_266 : i32
    "tpu.region"() ({
      %run_scoped3A = tpu.sem_alloc : memref<!tpu.dma_semaphore, #tpu.memory_space<semaphore_mem>>
      %dma_start3A_270 = arith.constant 0 : i32
      %dma_start3A_271 = tpu.memref_slice %arg4[%mul3A_267, %dma_start3A_270] : memref<256x128xf32, #tpu.memory_space<hbm>> -> memref<8x128xf32, #tpu.memory_space<hbm>>
      %dma_start3A_272 = arith.constant 0 : i32
      %dma_start3A_273 = tpu.memref_slice %arg4[%mul3A_267, %dma_start3A_272] : memref<256x128xf32, #tpu.memory_space<hbm>> -> memref<8x128xf32, #tpu.memory_space<hbm>>
      tpu.enqueue_dma source(%arg26 : memref<8x128xf32, #tpu.memory_space<vmem>>) target(%dma_start3A_273 : memref<8x128xf32, #tpu.memory_space<hbm>>) target_semaphore(%run_scoped3A : memref<!tpu.dma_semaphore, #tpu.memory_space<semaphore_mem>>)
      %dma_wait3A_274 = arith.constant 0 : i32
      %dma_wait3A_275 = tpu.memref_slice %arg4[%mul3A_267, %dma_wait3A_274] : memref<256x128xf32, #tpu.memory_space<hbm>> -> memref<8x128xf32, #tpu.memory_space<hbm>>
      %dma_wait3A_276 = arith.constant 0 : i32
      %dma_wait3A_277 = tpu.memref_slice %arg4[%mul3A_267, %dma_wait3A_276] : memref<256x128xf32, #tpu.memory_space<hbm>> -> memref<8x128xf32, #tpu.memory_space<hbm>>
      tpu.wait_dma2 semaphore(%run_scoped3A : memref<!tpu.dma_semaphore, #tpu.memory_space<semaphore_mem>>) src(%arg26 : memref<8x128xf32, #tpu.memory_space<vmem>>) dst(%dma_wait3A_277 : memref<8x128xf32, #tpu.memory_space<hbm>>)
      tpu.yield
    }) : () -> ()
    %mul3A_268 = arith.constant 8 : i32
    %mul3A_269 = arith.muli %add3A, %mul3A_268 : i32
    "tpu.region"() ({
      %run_scoped3A = tpu.sem_alloc : memref<!tpu.dma_semaphore, #tpu.memory_space<semaphore_mem>>
      %dma_start3A_270 = arith.constant 0 : i32
      %dma_start3A_271 = tpu.memref_slice %arg5[%mul3A_269, %dma_start3A_270] : memref<256x128xf32, #tpu.memory_space<hbm>> -> memref<8x128xf32, #tpu.memory_space<hbm>>
      %dma_start3A_272 = arith.constant 0 : i32
      %dma_start3A_273 = tpu.memref_slice %arg5[%mul3A_269, %dma_start3A_272] : memref<256x128xf32, #tpu.memory_space<hbm>> -> memref<8x128xf32, #tpu.memory_space<hbm>>
      tpu.enqueue_dma source(%arg27 : memref<8x128xf32, #tpu.memory_space<vmem>>) target(%dma_start3A_273 : memref<8x128xf32, #tpu.memory_space<hbm>>) target_semaphore(%run_scoped3A : memref<!tpu.dma_semaphore, #tpu.memory_space<semaphore_mem>>)
      %dma_wait3A_274 = arith.constant 0 : i32
      %dma_wait3A_275 = tpu.memref_slice %arg5[%mul3A_269, %dma_wait3A_274] : memref<256x128xf32, #tpu.memory_space<hbm>> -> memref<8x128xf32, #tpu.memory_space<hbm>>
      %dma_wait3A_276 = arith.constant 0 : i32
      %dma_wait3A_277 = tpu.memref_slice %arg5[%mul3A_269, %dma_wait3A_276] : memref<256x128xf32, #tpu.memory_space<hbm>> -> memref<8x128xf32, #tpu.memory_space<hbm>>
      tpu.wait_dma2 semaphore(%run_scoped3A : memref<!tpu.dma_semaphore, #tpu.memory_space<semaphore_mem>>) src(%arg27 : memref<8x128xf32, #tpu.memory_space<vmem>>) dst(%dma_wait3A_277 : memref<8x128xf32, #tpu.memory_space<hbm>>)
      tpu.yield
    }) : () -> ()
    return
  }
}

</mosaic_0001>

<sc_bundles>
// kernel: _sc_partials.3.cloned.1.call-start
scs
__scs_entry_jumppad:
0x0: {  	(pc) =	sbr.rel $0x88, $3  }
0x1: {  	(tag) =	ssettag $0x0;
	lr =	simm.s32 $0x1  }
0x2: {  	[smem:$0x3F9F] =	sst lr;
	_ =	strace $0xD0000000  }
0x3: {  	_ = 	snop  }
0x4: {  	_ = 	snop  }
0x5: {  	_ = 	snop  }
0x6: {  	_ = 	snop  }
0x7: {  	_ = 	snop  }
__scs_overlays_trampoline_lowered:
0x8: {  	[smem:$0x3FAE] =	sst s0  }
0x9: {  	[smem:$0x3FAF] =	sst s1  }
0xa: {  	[smem:$0x3FB0] =	sst s2  }
0xb: {  	[smem:$0x3FB1] =	sst s3  }
0xc: {  	[smem:$0x3FB2] =	sst s4  }
0xd: {  	[smem:$0x3FB3] =	sst s5  }
0xe: {  	[smem:$0x3FB4] =	sst s6  }
0xf: {  	[smem:$0x3FB5] =	sst s7  }
0x10: {  	[smem:$0x3FB6] =	sst s8  }
0x11: {  	[smem:$0x3FB7] =	sst s9;
	s0 =	simm.s32 @!p0 $0x0  }
0x12: {  	s1 =	sld [smem:$0x3F9D];
	s0 =	simm.s32 @p0 $0x1  }
0x13: {  	[smem:$0x3FB8] =	sst s0;
	s0 =	simm.s32 @!p1 $0x0  }
0x14: {  	s2 =	sld [smem:$0x3F9C];
	s0 =	simm.s32 @p1 $0x1  }
0x15: {  	[smem:$0x3FB9] =	sst s0;
	s0 =	simm.s32 @!p2 $0x0  }
0x16: {  	s3 =	sld [smem:$0x3FDB];
	s0 =	simm.s32 @p2 $0x1  }
0x17: {  	s4 =	simm.s32 $0x1BF5;
	[smem:$0x3FBB] =	sst s0  }
0x18: {  	s0 =	sld [smem:$0x3F9E];
	_ =	swait.ge [sflag:s4], $0x0  }
0x19: {  	s7 =	sld [smem:$0x3F9F]  }
0x1a: {  	s8 =	sadd.s32 $0xFFFFE003, lr  }
0x1b: {  	s9 =	sadd.s32 $0xFFFFFEF7, lr;
	s5 =	simm.s32 $0xFFFFFFFF;
	p2 =	slt.u32 s8, $0xFFFFF086  }
0x1c: {  	p1 =	slt.u32 s9, $0xF7A;
	s5 =	simm.s32 @!p2 $0x0  }
0x1d: {  	s5 =	simm.s32 @p1 $0x1;
	p0 =	seq.s32 s7, s2  }
0x1e: {  	s7 =	smul.u32 @!p0 $0xF7A, s2;
	p2 =	seq.s32 @!p0 s5, $0x0  }
0x1f: {  	s9 =	smul.u32 $0xF7A, s1;
	s8 =	simm.s32 @!p0 $0x1BF5;
	p2 =	por !p2, p0  }
0x20: {  	[sflag:s8] =	ssyncset.s32 @!p0 $0xFFFFF086;
	s6 =	sadd.s32 @!p0 s3, s7;
	s7 =	simm.s32 @!p0 $0x108  }
0x21: {  	s3 =	sadd.s32 s3, s9;
	s6 =	sadd.s32 @!p0 $0x88, s6;
	s7 =	simm.s32 @p2 $0x1082  }
0x22: {  	[simem:s7], [sflag:s8] =	dma.local @!p0 [hbm:s6], $0xF7A  }
0x23: {  	s9 =	sor.u32 $0xD0000000, s2;
	s6 =	simm.s32 $0x108;
	_ =	swait.ge @!p0 [sflag:s8], $0x0  }
0x24: {  	s3 =	sadd.s32 $0x88, s3;
	s6 =	simm.s32 @!p1 $0x1082;
	[sflag:s4] =	ssyncset.s32 $0xFFFFF086  }
0x25: {  	[simem:s6], [sflag:s4] =	dma.local [hbm:s3], $0xF7A  }
0x26: {  	[smem:$0x3F9F] =	sst s1;
	(tag) =	ssettag s2;
	_ =	strace s9  }
0x27: {  	s1 =	sld [smem:$0x3FAF]  }
0x28: {  	s2 =	sld [smem:$0x3FB0]  }
0x29: {  	s4 =	sld [smem:$0x3FB2]  }
0x2a: {  	p0 =	seq.s32 s5, $0x0;
	s5 =	sld [smem:$0x3FB3]  }
0x2b: {  	s6 =	sld [smem:$0x3FB4]  }
0x2c: {  	s7 =	sld [smem:$0x3FB5]  }
0x2d: {  	s3 =	simm.s32 $0x108;
	s8 =	sld [smem:$0x3FB6]  }
0x2e: {  	s3 =	simm.s32 @!p0 $0x1082;
	s9 =	sld [smem:$0x3FB7]  }
0x2f: {  	lr =	sadd.s32 s0, s3;
	s0 =	sld [smem:$0x3FAE]  }
0x30: {  	s3 =	sld [smem:$0x3FB1]  }
0x31: {  	[smem:$0x3FBA] =	sst s10  }
0x32: {  	s10 =	sld [smem:$0x3FB8];
	_ =	sdelay $0x3  }
0x33: {  	p0 =	seq.s32 s10, $0x1;
	s10 =	sld [smem:$0x3FBA];
	_ =	sdelay $0x3  }
0x34: {  	[smem:$0x3FBA] =	sst s10  }
0x35: {  	s10 =	sld [smem:$0x3FB9];
	_ =	sdelay $0x3  }
0x36: {  	p1 =	seq.s32 s10, $0x1;
	s10 =	sld [smem:$0x3FBA];
	_ =	sdelay $0x3  }
0x37: {  	[smem:$0x3FBA] =	sst s10  }
0x38: {  	s10 =	sld [smem:$0x3FBB]  }
0x39: {  	_ = 	snop;
	(pc) =	sbr.ind lr, $3  }
0x3a: {  	_ = 	snop  }
0x3b: {  	_ = 	snop  }
0x3c: {  	p2 =	seq.s32 s10, $0x1;
	s10 =	sld [smem:$0x3FBA]  }
0x3d: {  	_ =	shalt  }
0x3e: {  	_ =	shalt  }
0x3f: {  	_ =	shalt  }
0x40: {  	_ =	shalt  }
0x41: {  	_ =	shalt  }
0x42: {  	_ =	shalt  }
0x43: {  	_ =	shalt  }
0x44: {  	_ =	shalt  }
0x45: {  	_ =	shalt  }
0x46: {  	_ =	shalt  }
0x47: {  	_ =	shalt  }
0x48: {  	_ =	shalt  }
0x49: {  	_ =	shalt  }
0x4a: {  	_ =	shalt  }
0x4b: {  	_ =	shalt  }
0x4c: {  	_ =	shalt  }
0x4d: {  	_ =	shalt  }
0x4e: {  	_ =	shalt  }
0x4f: {  	_ =	shalt  }
0x50: {  	_ =	shalt  }
0x51: {  	_ =	shalt  }
0x52: {  	_ =	shalt  }
0x53: {  	_ =	shalt  }
0x54: {  	_ =	shalt  }
0x55: {  	_ =	shalt  }
0x56: {  	_ =	shalt  }
0x57: {  	_ =	shalt  }
0x58: {  	_ =	shalt  }
0x59: {  	_ =	shalt  }
0x5a: {  	_ =	shalt  }
0x5b: {  	_ =	shalt  }
0x5c: {  	_ =	shalt  }
0x5d: {  	_ =	shalt  }
0x5e: {  	_ =	shalt  }
0x5f: {  	_ =	shalt  }
0x60: {  	_ =	shalt  }
0x61: {  	_ =	shalt  }
0x62: {  	_ =	shalt  }
0x63: {  	_ =	shalt  }
0x64: {  	_ =	shalt  }
0x65: {  	_ =	shalt  }
0x66: {  	_ =	shalt  }
0x67: {  	_ =	shalt  }
0x68: {  	_ =	shalt  }
0x69: {  	_ =	shalt  }
0x6a: {  	_ =	shalt  }
0x6b: {  	_ =	shalt  }
0x6c: {  	_ =	shalt  }
0x6d: {  	_ =	shalt  }
0x6e: {  	_ =	shalt  }
0x6f: {  	_ =	shalt  }
0x70: {  	_ =	shalt  }
0x71: {  	_ =	shalt  }
0x72: {  	_ =	shalt  }
0x73: {  	_ =	shalt  }
0x74: {  	_ =	shalt  }
0x75: {  	_ =	shalt  }
0x76: {  	_ =	shalt  }
0x77: {  	_ =	shalt  }
0x78: {  	_ =	shalt  }
0x79: {  	_ =	shalt  }
0x7a: {  	_ =	shalt  }
0x7b: {  	_ =	shalt  }
0x7c: {  	_ =	shalt  }
0x7d: {  	_ =	shalt  }
0x7e: {  	_ =	shalt  }
0x7f: {  	_ =	shalt  }
0x80: {  	_ =	shalt  }
0x81: {  	_ =	shalt  }
0x82: {  	_ =	shalt  }
0x83: {  	_ =	shalt  }
0x84: {  	_ =	shalt  }
0x85: {  	_ =	shalt  }
0x86: {  	_ =	shalt  }
0x87: {  	_ =	shalt  }
.Lfunc_end0:
.L_simem_size_0:
called_computation_lowered:
.L_overlay_start_0:
0x88: {  	s2 =	sld [smem:$0x3FD9]  }
0x89: {  	s3 =	sld [smem:$0x3FFE];
	_ =	sdelay $0x1  }
0x8a: {  	s1 =	srdreg.scid  }
0x8b: {  	s0 =	sand.u32 $0x1, s1  }
0x8c: {  	s14 =	sshll.u32 s0, $0xA;
	s2 =	sadd.s32 s3, s2  }
0x8d: {  	s2 =	sadd.s32 s2, s14  }
0x8e: {  	[smem:$0x3FC6] =	sst s2  }
0x8f: {  	_ = 	snop  }
0x90: {  	s2 =	sld [smem:$0x3FD0];
	_ =	sdelay $0x2  }
0x91: {  	s4 =	simm.s32 $0xA;
	s5 =	simm.s32 $0x10;
	s15 =	sld [smem:$0x3FC8]  }
0x92: {  	[smem:s5], [sflag:s4] =	dma.local [hbm:s2], $0x1  }
0x93: {  	_ =	swait.eq [sflag:s4], $0x1  }
0x94: {  	[sflag:s4] =	ssyncset.done $0x0  }
0x95: {  	s16 =	sld [smem:$0x10];
	[sflag:s4] =	ssyncadd.s32 $0xFFFFFFFF  }
0x96: {  	s17 =	sld [smem:$0x11];
	(tm) =	ssettm $0x1  }
0x97: {  	s18 =	sld [smem:$0x3FFB];
	_ =	sdelay $0x3  }
0x98: {  	_ =	strace s18  }
0x99: {  	s5 =	sld [smem:$0x3FFC];
	_ =	sdelay $0x3  }
0x9a: {  	_ =	strace s5  }
0x9b: {  	s5 =	sld [smem:$0x3FFD];
	_ =	sdelay $0x3  }
0x9c: {  	_ =	strace s5  }
0x9d: {  	_ =	strace $0x8FFFFFFF  }
0x9e: {  	s19 =	sld [smem:$0x3FDB];
	_ =	sdelay $0x1  }
0x9f: {  	s6 =	simm.s32 $_scs_section_size  }
0xa0: {  	s7 =	simm.s32 $_size__tile_overlayer_lowered;
	s8 =	simm.s32 $_tile_overlayer_lowered  }
0xa1: {  	s22 =	simm.s32 $0x1BFF;
	s21 =	sshll.u32 s8, $0x1;
	s5 =	sadd.s32 s6, s19  }
0xa2: {  	s9 =	simm.s32 $0x0;
	s20 =	sshll.u32 s7, $0x1;
	s7 =	sadd.s32 s21, s5  }
0xa3: {  	[timem:s9], [sflag:s22] =	dma.local [hbm:s7], s20  }
0xa4: {  	_ =	swait.ge [sflag:s22], s20  }
0xa5: {  	s6 =	ssub.s32 $0x0, s20;
	[sflag:s22] =	ssyncset.done $0x0  }
0xa6: {  	[sflag:s22] =	ssyncadd.s32 s6;
	_ =	sdelay $0x1  }
0xa7: {  	s23 =	simm.s32 $0x1B8B  }
0xa8: {  	_ =	swait.ge [sflag:s23], $0x1  }
0xa9: {  	[sflag:s23] =	ssyncset.done $0x0  }
0xaa: {  	s25 =	simm.s32 $0x1B8E;
	s24 =	sld [smem:$0x3FFE];
	[sflag:s23] =	ssyncadd.s32 $0xFFFFFFFF  }
0xab: {  	s26 =	simm.s32 $execute0_lowered;
	[smem:$0x3FD2] =	sst s25  }
0xac: {  	s7 =	sshll.u32 s26, $0x1;
	_ =	strace $0x80000046;
	[dreg:$0x1] =	wrdreg $0xFFFFFFFF  }
0xad: {  	s28 =	simm.s32 $_size_execute0_lowered;
	s5 =	sadd.s32 s5, s7;
	[dreg:$0x0] =	wrdreg $0x0  }
0xae: {  	s7 =	sshll.u32 s28, $0x1;
	[dreg:$0x2] =	wrdreg s5  }
0xaf: {  	[dreg:$0x3] =	wrdreg s7  }
0xb0: {  	[dreg:$0x4] =	wrdreg $0xC0  }
0xb1: {  	_ =	task [dreg:s9], $0x5FFFF  }
0xb2: {  	[dreg:$0x1] =	wrdreg $0xFFFFFFFF  }
0xb3: {  	[dreg:$0x0] =	wrdreg $0x60  }
0xb4: {  	[dreg:$0x2] =	wrdreg s24  }
0xb5: {  	[dreg:$0x3] =	wrdreg s15  }
0xb6: {  	[dreg:$0x4] =	wrdreg s16  }
0xb7: {  	[dreg:$0x5] =	wrdreg s17  }
0xb8: {  	[dreg:$0x6] =	wrdreg $0x9  }
0xb9: {  	_ =	task.clear_ibuf [dreg:s9], $0x7FFFF;
	_ =	strace $0x90000046  }
0xba: {  	s29 =	simm.s32 $0x9;
	_ =	strace $0x80000048  }
0xbb: {  	_ =	swait.ge [sflag:s29], $0x1  }
0xbc: {  	[sflag:s29] =	ssyncadd.s32 $0xFFFFFFFF  }
0xbd: {  	_ =	strace $0x90000048  }
0xbe: {  	_ =	sfence  }
0xbf: {  	s30 =	sld [smem:$0x0];
	_ =	sdelay $0x2  }
0xc0: {  	s31 =	sshll.u32 s1, $0xD;
	s1 =	sshrl.u32 s1, $0x2  }
0xc1: {  	s3 =	sand.u32 $0x4000, s31;
	s1 =	sadd.s32 s1, s30  }
0xc2: {  	s0 =	sor.u32 s3, s0;
	s1 =	sshll.u32 s1, $0x11  }
0xc3: {  	s0 =	sor.u32 s1, s0  }
0xc4: {  	s0 =	sadd.s32 $0x8F2B, s0  }
0xc5: {  	[sflag:s0] =	ssyncadd.remote.s32 $0x1  }
0xc6: {  	_ =	sfence.sel $0xFFFF  }
0xc7: {  	[dreg:$0x0] =	wrdreg $0xFFFFFFFF;
	(pc) =	sbr.abs _section_cstart, $3  }
0xc8: {  	[dreg:$0x1] =	wrdreg $0xFFFFFFFF  }
0xc9: {  	_ =	task.clear_ibuf [dreg:s9], $0x2FFFF;
	_ =	strace $0x9FFFFFFF  }
0xca: {  	(tm) =	ssettm $0x7FFFFFFF  }
0xcb: {  	_ =	shalt  }
tec
execute0_lowered:
.L_overlay_start_1:
0x0: {  	(tag) =	ssettag $0x1  }
0x1: {  	s0 =	rddreg [dreg:$0x0]  }
0x2: {  	s1 =	rddreg [dreg:$0x1]  }
0x3: {  	s2 =	rddreg [dreg:$0x2]  }
0x4: {  	s4 =	rddreg [dreg:$0x3];
	s3 =	srdreg.scid;
	s20 =	simm.s32 $0x0  }
0x5: {  	s9 =	stileid.u32;
	s28 =	simm.s32 $0x5000;
	s30 =	simm.s32 $0x7800  }
0x6: {  	s29 =	simm.s32 $0x3;
	s5 =	sand.u32 $0x1, s3;
	[smem:$0x7FF] =	sst s20  }
0x7: {  	s3 =	sshll.u32 s5, $0x4;
	_ =	strace $0x80000047;
	s7 =	ssub.s32 $0x2, s5  }
0x8: {  	s5 =	smul.u32 $0x27100, s5;
	s6 =	sor.u32 s9, s3;
	s3 =	sadd.s32 $0x2710800, s0  }
0x9: {  	s24 =	sshrl.u32 s7, $0x1;
	s8 =	smul.u32 $0x2710, s6;
	s6 =	sshll.u32 s6, $0x7  }
0xa: {  	s9 =	smul.u32 $0x2710, s9;
	s0 =	ssub.s32 s7, s24;
	s25 =	sadd.s32 s2, s6  }
0xb: {  	s24 =	simm.s32 $0xCB10;
	s26 =	sadd.s32 s4, s6;
	[dreg:$0x6] =	wrdreg s25  }
0xc: {  	s0 =	smax.u32 s0, $0x1;
	s4 =	simm.s32 $0x4;
	[dreg:$0x7] =	wrdreg s26  }
0xd: {  	s6 =	simm.s32 $0x0;
	s8 =	sshrl.u32 s8, $0x3;
	[dreg:$0x8] =	wrdreg s0  }
0xe: {  	s25 =	simm.s32 $0x280;
	s26 =	simm.s32 $0x2800;
	s0 =	simm.s32 $0x2  }
0xf: {  	s1 =	sadd.s32 s1, s8;
	s8 =	sadd.s32 s9, s5;
	s5 =	simm.s32 $0x5  }
0x10: {  	[dreg:$0x5] =	wrdreg s1;
	s9 =	sadd.s32 $0x280, s8;
	s10 =	sadd.s32 $0x500, s8  }
0x11: {  	s11 =	sadd.s32 $0x780, s8;
	s12 =	sadd.s32 $0xA00, s8;
	s13 =	sadd.s32 $0xC80, s8  }
0x12: {  	s14 =	sadd.s32 $0xF00, s8;
	s15 =	sadd.s32 $0x1180, s8;
	s16 =	sadd.s32 $0x1400, s8  }
0x13: {  	v0 =	vlaneseq.u32;
	s17 =	sadd.s32 $0x1680, s8;
	s18 =	sadd.s32 $0x1900, s8;
	s19 =	sadd.s32 $0x1B80, s8  }
0x14: {  	v2 =	vmul.u32 $0x10, v0;
	s2 =	sadd.s32 $0x1E00, s8;
	s21 =	sadd.s32 $0x2080, s8;
	s31 =	sadd.s32 $0x2300, s8  }
0x15: {  	v1 =	vimm.f32 $0.0e+00;
	v3 =	vimm.f32 $1.000000000e+00;
	s23 =	sadd.s32 $0x2580, s8;
	s1 =	simm.s32 $0xC710;
	[dreg:$0x9] =	wrdreg s31  }
.LBB2_1:
0x16: {  	v4 =	vor.u32 s8, v0  }
0x17: {  	s7 =	rddreg [dreg:$0x5];
	s22 =	simm.s32 $0xA000;
	vm0 =	vlt.s32 v4, $0x4E1FF  }
0x18: {  	[tilespmem:s22], [sflag:$0x1] =	stream.linear.gather [hbm4b:s7+s20], $0x2710, $0x38;
	v4 =	vnsel vm0, $0x4E1FF, v4;
	[tilespmem:$0xCF10] =	vst v63  }
0x19: {  	s7 =	simm.s32 $0x40;
	s22 =	simm.s32 $0x0;
	s20 =	smov.u32 s8;
	v4 =	vshll.u32 v4, $0x3  }
.LBB2_2:
0x1a: {  	p0 =	sne.s32 s7, $0x9C0  }
0x1b: {  	[tilespmem:s22+$0x0] =	vst v4;
	s20 =	sadd.s32 $0x10, s20;
	s22 =	smov.u32 s7;
	s7 =	sadd.s32 $0x40, s7  }
.Ltmp0:
0x1c: {  	(pc) =	sbr.rel @p0 .LBB2_2-.Ltmp0, $4  }
0x1d: {  	v4 =	vor.u32 s20, v0  }
0x1e: {  	vm0 =	vlt.s32 v4, $0x4E1FF  }
0x1f: {  	v4 =	vnsel vm0, $0x4E1FF, v4  }
0x20: {  	s22 =	sshra.s32 s22, $0x2;
	v4 =	vshll.u32 v4, $0x3  }
0x21: {  	[tilespmem:s22+$0x0] =	vst v4;
	v4 =	vor.u32 s9, v0  }
0x22: {  	s7 =	simm.s32 $0x0;
	vm0 =	vlt.s32 v4, $0x4E1FF  }
0x23: {  	[tilespmem:s26], [sflag:$0x2] =	stream.indirect.gather [hbm4b:s3+s25], $0x10, s7, s25, $0xb8;
	v4 =	vnsel vm0, $0x4E1FF, v4;
	[tilespmem:$0xCF10] =	vst v63  }
0x24: {  	s22 =	simm.s32 $0x0;
	s20 =	smov.u32 s9;
	s7 =	simm.s32 $0x40;
	v4 =	vshll.u32 v4, $0x3  }
.LBB2_4:
0x25: {  	p0 =	sne.s32 s7, $0x9C0  }
0x26: {  	[tilespmem:s22+$0x280] =	vst v4;
	s20 =	sadd.s32 $0x10, s20;
	s22 =	smov.u32 s7;
	s7 =	sadd.s32 $0x40, s7  }
.Ltmp1:
0x27: {  	(pc) =	sbr.rel @p0 .LBB2_4-.Ltmp1, $4  }
0x28: {  	v4 =	vor.u32 s20, v0  }
0x29: {  	vm0 =	vlt.s32 v4, $0x4E1FF  }
0x2a: {  	v4 =	vnsel vm0, $0x4E1FF, v4  }
0x2b: {  	s22 =	sshra.s32 s22, $0x2;
	v4 =	vshll.u32 v4, $0x3  }
0x2c: {  	[tilespmem:s22+$0x280] =	vst v4;
	v4 =	vor.u32 s10, v0  }
0x2d: {  	vm0 =	vlt.s32 v4, $0x4E1FF  }
0x2e: {  	s7 =	simm.s32 $0x40;
	s22 =	simm.s32 $0x0;
	s20 =	smov.u32 s10;
	v4 =	vnsel vm0, $0x4E1FF, v4  }
0x2f: {  	[tilespmem:s28], [sflag:$0x3] =	stream.indirect.gather [hbm4b:s3+s25], $0x10, s25, s25, $0xb8;
	v4 =	vshll.u32 v4, $0x3;
	[tilespmem:$0xCF10] =	vst v63  }
.LBB2_6:
0x30: {  	p0 =	sne.s32 s7, $0x9C0  }
0x31: {  	[tilespmem:s22+$0x500] =	vst v4;
	s20 =	sadd.s32 $0x10, s20;
	s22 =	smov.u32 s7;
	s7 =	sadd.s32 $0x40, s7  }
.Ltmp2:
0x32: {  	(pc) =	sbr.rel @p0 .LBB2_6-.Ltmp2, $4  }
0x33: {  	v4 =	vor.u32 s20, v0  }
0x34: {  	vm0 =	vlt.s32 v4, $0x4E1FF  }
0x35: {  	v4 =	vnsel vm0, $0x4E1FF, v4  }
0x36: {  	s22 =	sshra.s32 s22, $0x2;
	v4 =	vshll.u32 v4, $0x3  }
0x37: {  	[tilespmem:s22+$0x500] =	vst v4;
	v4 =	vor.u32 s11, v0  }
0x38: {  	s7 =	simm.s32 $0x500;
	vm0 =	vlt.s32 v4, $0x4E1FF  }
0x39: {  	[tilespmem:s30], [sflag:$0x4] =	stream.indirect.gather [hbm4b:s3+s25], $0x10, s7, s25, $0xb8;
	v4 =	vnsel vm0, $0x4E1FF, v4;
	[tilespmem:$0xCF10] =	vst v63  }
0x3a: {  	s22 =	simm.s32 $0x0;
	s20 =	smov.u32 s11;
	s7 =	simm.s32 $0x40;
	v4 =	vshll.u32 v4, $0x3  }
.LBB2_8:
0x3b: {  	p0 =	sne.s32 s7, $0x9C0  }
0x3c: {  	[tilespmem:s22+$0x780] =	vst v4;
	s20 =	sadd.s32 $0x10, s20;
	s22 =	smov.u32 s7;
	s7 =	sadd.s32 $0x40, s7  }
.Ltmp3:
0x3d: {  	(pc) =	sbr.rel @p0 .LBB2_8-.Ltmp3, $4  }
0x3e: {  	v4 =	vor.u32 s20, v0  }
0x3f: {  	vm0 =	vlt.s32 v4, $0x4E1FF  }
0x40: {  	v4 =	vnsel vm0, $0x4E1FF, v4  }
0x41: {  	s22 =	sshra.s32 s22, $0x2;
	v4 =	vshll.u32 v4, $0x3  }
0x42: {  	v5 =	vor.u32 s12, v0  }
0x43: {  	vm0 =	vlt.s32 v5, $0x4E1FF  }
0x44: {  	v5 =	vnsel vm0, $0x4E1FF, v5  }
0x45: {  	[tilespmem:s22+$0x780] =	vst v4;
	s7 =	simm.s32 $0x40;
	s22 =	simm.s32 $0x0;
	s20 =	smov.u32 s12;
	v4 =	vshll.u32 v5, $0x3  }
.LBB2_10:
0x46: {  	p0 =	sne.s32 s7, $0x9C0  }
0x47: {  	[tilespmem:s22+$0xA00] =	vst v4;
	s20 =	sadd.s32 $0x10, s20;
	s22 =	smov.u32 s7;
	s7 =	sadd.s32 $0x40, s7  }
.Ltmp4:
0x48: {  	(pc) =	sbr.rel @p0 .LBB2_10-.Ltmp4, $4  }
0x49: {  	v4 =	vor.u32 s20, v0  }
0x4a: {  	vm0 =	vlt.s32 v4, $0x4E1FF  }
0x4b: {  	v4 =	vnsel vm0, $0x4E1FF, v4  }
0x4c: {  	s22 =	sshra.s32 s22, $0x2;
	v4 =	vshll.u32 v4, $0x3  }
0x4d: {  	v5 =	vor.u32 s13, v0  }
0x4e: {  	vm0 =	vlt.s32 v5, $0x4E1FF  }
0x4f: {  	v5 =	vnsel vm0, $0x4E1FF, v5  }
0x50: {  	[tilespmem:s22+$0xA00] =	vst v4;
	s7 =	simm.s32 $0x40;
	s22 =	simm.s32 $0x0;
	s20 =	smov.u32 s13;
	v4 =	vshll.u32 v5, $0x3  }
.LBB2_12:
0x51: {  	p0 =	sne.s32 s7, $0x9C0  }
0x52: {  	[tilespmem:s22+$0xC80] =	vst v4;
	s20 =	sadd.s32 $0x10, s20;
	s22 =	smov.u32 s7;
	s7 =	sadd.s32 $0x40, s7  }
.Ltmp5:
0x53: {  	(pc) =	sbr.rel @p0 .LBB2_12-.Ltmp5, $4  }
0x54: {  	v4 =	vor.u32 s20, v0  }
0x55: {  	vm0 =	vlt.s32 v4, $0x4E1FF  }
0x56: {  	v4 =	vnsel vm0, $0x4E1FF, v4  }
0x57: {  	s22 =	sshra.s32 s22, $0x2;
	v4 =	vshll.u32 v4, $0x3  }
0x58: {  	v5 =	vor.u32 s14, v0  }
0x59: {  	vm0 =	vlt.s32 v5, $0x4E1FF  }
0x5a: {  	v5 =	vnsel vm0, $0x4E1FF, v5  }
0x5b: {  	[tilespmem:s22+$0xC80] =	vst v4;
	s7 =	simm.s32 $0x40;
	s22 =	simm.s32 $0x0;
	s20 =	smov.u32 s14;
	v4 =	vshll.u32 v5, $0x3  }
.LBB2_14:
0x5c: {  	p0 =	sne.s32 s7, $0x9C0  }
0x5d: {  	[tilespmem:s22+$0xF00] =	vst v4;
	s20 =	sadd.s32 $0x10, s20;
	s22 =	smov.u32 s7;
	s7 =	sadd.s32 $0x40, s7  }
.Ltmp6:
0x5e: {  	(pc) =	sbr.rel @p0 .LBB2_14-.Ltmp6, $4  }
0x5f: {  	v4 =	vor.u32 s20, v0  }
0x60: {  	vm0 =	vlt.s32 v4, $0x4E1FF  }
0x61: {  	v4 =	vnsel vm0, $0x4E1FF, v4  }
0x62: {  	s22 =	sshra.s32 s22, $0x2;
	v4 =	vshll.u32 v4, $0x3  }
0x63: {  	v5 =	vor.u32 s15, v0  }
0x64: {  	vm0 =	vlt.s32 v5, $0x4E1FF  }
0x65: {  	v5 =	vnsel vm0, $0x4E1FF, v5  }
0x66: {  	[tilespmem:s22+$0xF00] =	vst v4;
	s7 =	simm.s32 $0x40;
	s22 =	simm.s32 $0x0;
	s20 =	smov.u32 s15;
	v4 =	vshll.u32 v5, $0x3  }
.LBB2_16:
0x67: {  	p0 =	sne.s32 s7, $0x9C0  }
0x68: {  	[tilespmem:s22+$0x1180] =	vst v4;
	s20 =	sadd.s32 $0x10, s20;
	s22 =	smov.u32 s7;
	s7 =	sadd.s32 $0x40, s7  }
.Ltmp7:
0x69: {  	(pc) =	sbr.rel @p0 .LBB2_16-.Ltmp7, $4  }
0x6a: {  	v4 =	vor.u32 s20, v0  }
0x6b: {  	vm0 =	vlt.s32 v4, $0x4E1FF  }
0x6c: {  	v4 =	vnsel vm0, $0x4E1FF, v4  }
0x6d: {  	s22 =	sshra.s32 s22, $0x2;
	v4 =	vshll.u32 v4, $0x3  }
0x6e: {  	v5 =	vor.u32 s16, v0  }
0x6f: {  	vm0 =	vlt.s32 v5, $0x4E1FF  }
0x70: {  	v5 =	vnsel vm0, $0x4E1FF, v5  }
0x71: {  	[tilespmem:s22+$0x1180] =	vst v4;
	s7 =	simm.s32 $0x40;
	s22 =	simm.s32 $0x0;
	s20 =	smov.u32 s16;
	v4 =	vshll.u32 v5, $0x3  }
.LBB2_18:
0x72: {  	p0 =	sne.s32 s7, $0x9C0  }
0x73: {  	[tilespmem:s22+$0x1400] =	vst v4;
	s20 =	sadd.s32 $0x10, s20;
	s22 =	smov.u32 s7;
	s7 =	sadd.s32 $0x40, s7  }
.Ltmp8:
0x74: {  	(pc) =	sbr.rel @p0 .LBB2_18-.Ltmp8, $4  }
0x75: {  	v4 =	vor.u32 s20, v0  }
0x76: {  	vm0 =	vlt.s32 v4, $0x4E1FF  }
0x77: {  	v4 =	vnsel vm0, $0x4E1FF, v4  }
0x78: {  	s22 =	sshra.s32 s22, $0x2;
	v4 =	vshll.u32 v4, $0x3  }
0x79: {  	v5 =	vor.u32 s17, v0  }
0x7a: {  	vm0 =	vlt.s32 v5, $0x4E1FF  }
0x7b: {  	v5 =	vnsel vm0, $0x4E1FF, v5  }
0x7c: {  	[tilespmem:s22+$0x1400] =	vst v4;
	s7 =	simm.s32 $0x40;
	s22 =	simm.s32 $0x0;
	s20 =	smov.u32 s17;
	v4 =	vshll.u32 v5, $0x3  }
.LBB2_20:
0x7d: {  	p0 =	sne.s32 s7, $0x9C0  }
0x7e: {  	[tilespmem:s22+$0x1680] =	vst v4;
	s20 =	sadd.s32 $0x10, s20;
	s22 =	smov.u32 s7;
	s7 =	sadd.s32 $0x40, s7  }
.Ltmp9:
0x7f: {  	(pc) =	sbr.rel @p0 .LBB2_20-.Ltmp9, $4  }
0x80: {  	v4 =	vor.u32 s20, v0  }
0x81: {  	vm0 =	vlt.s32 v4, $0x4E1FF  }
0x82: {  	v4 =	vnsel vm0, $0x4E1FF, v4  }
0x83: {  	s22 =	sshra.s32 s22, $0x2;
	v4 =	vshll.u32 v4, $0x3  }
0x84: {  	v5 =	vor.u32 s18, v0  }
0x85: {  	vm0 =	vlt.s32 v5, $0x4E1FF  }
0x86: {  	v5 =	vnsel vm0, $0x4E1FF, v5  }
0x87: {  	[tilespmem:s22+$0x1680] =	vst v4;
	s7 =	simm.s32 $0x40;
	s22 =	simm.s32 $0x0;
	s20 =	smov.u32 s18;
	v4 =	vshll.u32 v5, $0x3  }
.LBB2_22:
0x88: {  	p0 =	sne.s32 s7, $0x9C0  }
0x89: {  	[tilespmem:s22+$0x1900] =	vst v4;
	s20 =	sadd.s32 $0x10, s20;
	s22 =	smov.u32 s7;
	s7 =	sadd.s32 $0x40, s7  }
.Ltmp10:
0x8a: {  	(pc) =	sbr.rel @p0 .LBB2_22-.Ltmp10, $4  }
0x8b: {  	v4 =	vor.u32 s20, v0  }
0x8c: {  	vm0 =	vlt.s32 v4, $0x4E1FF  }
0x8d: {  	v4 =	vnsel vm0, $0x4E1FF, v4  }
0x8e: {  	s22 =	sshra.s32 s22, $0x2;
	v4 =	vshll.u32 v4, $0x3  }
0x8f: {  	v5 =	vor.u32 s19, v0  }
0x90: {  	vm0 =	vlt.s32 v5, $0x4E1FF  }
0x91: {  	v5 =	vnsel vm0, $0x4E1FF, v5  }
0x92: {  	[tilespmem:s22+$0x1900] =	vst v4;
	s7 =	simm.s32 $0x40;
	s22 =	simm.s32 $0x0;
	s20 =	smov.u32 s19;
	v4 =	vshll.u32 v5, $0x3  }
.LBB2_24:
0x93: {  	p0 =	sne.s32 s7, $0x9C0  }
0x94: {  	[tilespmem:s22+$0x1B80] =	vst v4;
	s20 =	sadd.s32 $0x10, s20;
	s22 =	smov.u32 s7;
	s7 =	sadd.s32 $0x40, s7  }
.Ltmp11:
0x95: {  	(pc) =	sbr.rel @p0 .LBB2_24-.Ltmp11, $4  }
0x96: {  	v4 =	vor.u32 s20, v0  }
0x97: {  	vm0 =	vlt.s32 v4, $0x4E1FF  }
0x98: {  	v4 =	vnsel vm0, $0x4E1FF, v4  }
0x99: {  	s22 =	sshra.s32 s22, $0x2;
	v4 =	vshll.u32 v4, $0x3  }
0x9a: {  	v5 =	vor.u32 s2, v0  }
0x9b: {  	vm0 =	vlt.s32 v5, $0x4E1FF  }
0x9c: {  	v5 =	vnsel vm0, $0x4E1FF, v5  }
0x9d: {  	[tilespmem:s22+$0x1B80] =	vst v4;
	s22 =	simm.s32 $0x40;
	s31 =	simm.s32 $0x0;
	s20 =	smov.u32 s2;
	v4 =	vshll.u32 v5, $0x3  }
.LBB2_26:
0x9e: {  	p0 =	sne.s32 s22, $0x9C0  }
0x9f: {  	[tilespmem:s31+$0x1E00] =	vst v4;
	s20 =	sadd.s32 $0x10, s20;
	s7 =	smov.u32 s22;
	s22 =	sadd.s32 $0x40, s22  }
.Ltmp12:
0xa0: {  	(pc) =	sbr.rel @p0 .LBB2_26-.Ltmp12, $4  }
0xa1: {  	v4 =	vor.u32 s20, v0  }
0xa2: {  	vm0 =	vlt.s32 v4, $0x4E1FF  }
0xa3: {  	v4 =	vnsel vm0, $0x4E1FF, v4  }
0xa4: {  	s31 =	sshra.s32 s7, $0x2;
	s7 =	simm.s32 $0x0;
	v4 =	vshll.u32 v4, $0x3  }
0xa5: {  	v5 =	vor.u32 s21, v0  }
0xa6: {  	vm0 =	vlt.s32 v5, $0x4E1FF  }
0xa7: {  	v5 =	vnsel vm0, $0x4E1FF, v5  }
0xa8: {  	[tilespmem:s31+$0x1E00] =	vst v4;
	s22 =	simm.s32 $0x40;
	s31 =	simm.s32 $0x0;
	s20 =	smov.u32 s21;
	v4 =	vshll.u32 v5, $0x3  }
.LBB2_28:
0xa9: {  	p0 =	sne.s32 s22, $0x9C0  }
0xaa: {  	[tilespmem:s31+$0x2080] =	vst v4;
	s20 =	sadd.s32 $0x10, s20;
	s31 =	smov.u32 s22;
	s22 =	sadd.s32 $0x40, s22  }
.Ltmp13:
0xab: {  	(pc) =	sbr.rel @p0 .LBB2_28-.Ltmp13, $4  }
0xac: {  	v4 =	vor.u32 s20, v0  }
0xad: {  	vm0 =	vlt.s32 v4, $0x4E1FF  }
0xae: {  	v4 =	vnsel vm0, $0x4E1FF, v4  }
0xaf: {  	s31 =	sshra.s32 s31, $0x2;
	v4 =	vshll.u32 v4, $0x3  }
0xb0: {  	[tilespmem:s31+$0x2080] =	vst v4;
	s20 =	rddreg [dreg:$0x9]  }
.LBB2_30:
0xb1: {  	p0 =	sne.s32 s7, $0x9C0  }
.Ltmp14:
0xb2: {  	v4 =	vor.u32 s20, v0;
	(pc) =	sbr.rel @p0 .LBB2_30-.Ltmp14, $4  }
0xb3: {  	vm0 =	vlt.s32 v4, $0x4E1FF  }
0xb4: {  	v4 =	vnsel vm0, $0x4E1FF, v4  }
0xb5: {  	s22 =	sshra.s32 s7, $0x2;
	v4 =	vshll.u32 v4, $0x3  }
0xb6: {  	s20 =	sadd.s32 $0x10, s20;
	s7 =	sadd.s32 $0x40, s7;
	[tilespmem:s22+$0x2300] =	vst v4  }
0xb7: {  	v4 =	vor.u32 s23, v0  }
0xb8: {  	vm0 =	vlt.s32 v4, $0x4E1FF  }
0xb9: {  	v4 =	vnsel vm0, $0x4E1FF, v4  }
0xba: {  	s7 =	simm.s32 $0x40;
	s22 =	simm.s32 $0x0;
	s20 =	smov.u32 s23;
	v4 =	vshll.u32 v4, $0x3  }
.LBB2_32:
0xbb: {  	p0 =	sne.s32 s7, $0x9C0  }
0xbc: {  	[tilespmem:s22+$0x2580] =	vst v4;
	s20 =	sadd.s32 $0x10, s20;
	s22 =	smov.u32 s7;
	s7 =	sadd.s32 $0x40, s7  }
.Ltmp15:
0xbd: {  	(pc) =	sbr.rel @p0 .LBB2_32-.Ltmp15, $4  }
0xbe: {  	v4 =	vor.u32 s20, v0  }
0xbf: {  	vm0 =	vlt.s32 v4, $0x4E1FF  }
0xc0: {  	v4 =	vnsel vm0, $0x4E1FF, v4  }
0xc1: {  	s22 =	sshra.s32 s22, $0x2;
	v4 =	vshll.u32 v4, $0x3  }
0xc2: {  	[tilespmem:s22+$0x2580] =	vst v4  }
0xc3: {  	[tilespmem:$0xC710] =	vst v1  }
0xc4: {  	[tilespmem:$0xCB10] =	vst v1  }
0xc5: {  	[tilespmem:$0xC790] =	vst v1  }
0xc6: {  	[tilespmem:$0xCB90] =	vst v1  }
0xc7: {  	[tilespmem:$0xC810] =	vst v1  }
0xc8: {  	[tilespmem:$0xCC10] =	vst v1  }
0xc9: {  	[tilespmem:$0xC890] =	vst v1  }
0xca: {  	[tilespmem:$0xCC90] =	vst v1  }
0xcb: {  	[tilespmem:$0xC910] =	vst v1  }
0xcc: {  	[tilespmem:$0xCD10] =	vst v1  }
0xcd: {  	[tilespmem:$0xC990] =	vst v1  }
0xce: {  	[tilespmem:$0xCD90] =	vst v1  }
0xcf: {  	[tilespmem:$0xCA10] =	vst v1  }
0xd0: {  	[tilespmem:$0xCE10] =	vst v1  }
0xd1: {  	[tilespmem:$0xCA90] =	vst v1  }
0xd2: {  	[tilespmem:$0xCE90] =	vst v1  }
0xd3: {  	[tilespmem:$0xC720] =	vst v1  }
0xd4: {  	[tilespmem:$0xCB20] =	vst v1  }
0xd5: {  	[tilespmem:$0xC7A0] =	vst v1  }
0xd6: {  	[tilespmem:$0xCBA0] =	vst v1  }
0xd7: {  	[tilespmem:$0xC820] =	vst v1  }
0xd8: {  	[tilespmem:$0xCC20] =	vst v1  }
0xd9: {  	[tilespmem:$0xC8A0] =	vst v1  }
0xda: {  	[tilespmem:$0xCCA0] =	vst v1  }
0xdb: {  	[tilespmem:$0xC920] =	vst v1  }
0xdc: {  	[tilespmem:$0xCD20] =	vst v1  }
0xdd: {  	[tilespmem:$0xC9A0] =	vst v1  }
0xde: {  	[tilespmem:$0xCDA0] =	vst v1  }
0xdf: {  	[tilespmem:$0xCA20] =	vst v1  }
0xe0: {  	[tilespmem:$0xCE20] =	vst v1  }
0xe1: {  	[tilespmem:$0xCAA0] =	vst v1  }
0xe2: {  	[tilespmem:$0xCEA0] =	vst v1  }
0xe3: {  	[tilespmem:$0xC730] =	vst v1  }
0xe4: {  	[tilespmem:$0xCB30] =	vst v1  }
0xe5: {  	[tilespmem:$0xC7B0] =	vst v1  }
0xe6: {  	[tilespmem:$0xCBB0] =	vst v1  }
0xe7: {  	[tilespmem:$0xC830] =	vst v1  }
0xe8: {  	[tilespmem:$0xCC30] =	vst v1  }
0xe9: {  	[tilespmem:$0xC8B0] =	vst v1  }
0xea: {  	[tilespmem:$0xCCB0] =	vst v1  }
0xeb: {  	[tilespmem:$0xC930] =	vst v1  }
0xec: {  	[tilespmem:$0xCD30] =	vst v1  }
0xed: {  	[tilespmem:$0xC9B0] =	vst v1  }
0xee: {  	[tilespmem:$0xCDB0] =	vst v1  }
0xef: {  	[tilespmem:$0xCA30] =	vst v1  }
0xf0: {  	[tilespmem:$0xCE30] =	vst v1  }
0xf1: {  	[tilespmem:$0xCAB0] =	vst v1  }
0xf2: {  	[tilespmem:$0xCEB0] =	vst v1  }
0xf3: {  	[tilespmem:$0xC740] =	vst v1  }
0xf4: {  	[tilespmem:$0xCB40] =	vst v1  }
0xf5: {  	[tilespmem:$0xC7C0] =	vst v1  }
0xf6: {  	[tilespmem:$0xCBC0] =	vst v1  }
0xf7: {  	[tilespmem:$0xC840] =	vst v1  }
0xf8: {  	[tilespmem:$0xCC40] =	vst v1  }
0xf9: {  	[tilespmem:$0xC8C0] =	vst v1  }
0xfa: {  	[tilespmem:$0xCCC0] =	vst v1  }
0xfb: {  	[tilespmem:$0xC940] =	vst v1  }
0xfc: {  	[tilespmem:$0xCD40] =	vst v1  }
0xfd: {  	[tilespmem:$0xC9C0] =	vst v1  }
0xfe: {  	[tilespmem:$0xCDC0] =	vst v1  }
0xff: {  	[tilespmem:$0xCA40] =	vst v1  }
0x100: {  	[tilespmem:$0xCE40] =	vst v1  }
0x101: {  	[tilespmem:$0xCAC0] =	vst v1  }
0x102: {  	[tilespmem:$0xCEC0] =	vst v1  }
0x103: {  	[tilespmem:$0xC750] =	vst v1  }
0x104: {  	[tilespmem:$0xCB50] =	vst v1  }
0x105: {  	[tilespmem:$0xC7D0] =	vst v1  }
0x106: {  	[tilespmem:$0xCBD0] =	vst v1  }
0x107: {  	[tilespmem:$0xC850] =	vst v1  }
0x108: {  	[tilespmem:$0xCC50] =	vst v1  }
0x109: {  	[tilespmem:$0xC8D0] =	vst v1  }
0x10a: {  	[tilespmem:$0xCCD0] =	vst v1  }
0x10b: {  	[tilespmem:$0xC950] =	vst v1  }
0x10c: {  	[tilespmem:$0xCD50] =	vst v1  }
0x10d: {  	[tilespmem:$0xC9D0] =	vst v1  }
0x10e: {  	[tilespmem:$0xCDD0] =	vst v1  }
0x10f: {  	[tilespmem:$0xCA50] =	vst v1  }
0x110: {  	[tilespmem:$0xCE50] =	vst v1  }
0x111: {  	[tilespmem:$0xCAD0] =	vst v1  }
0x112: {  	[tilespmem:$0xCED0] =	vst v1  }
0x113: {  	[tilespmem:$0xC760] =	vst v1  }
0x114: {  	[tilespmem:$0xCB60] =	vst v1  }
0x115: {  	[tilespmem:$0xC7E0] =	vst v1  }
0x116: {  	[tilespmem:$0xCBE0] =	vst v1  }
0x117: {  	[tilespmem:$0xC860] =	vst v1  }
0x118: {  	[tilespmem:$0xCC60] =	vst v1  }
0x119: {  	[tilespmem:$0xC8E0] =	vst v1  }
0x11a: {  	[tilespmem:$0xCCE0] =	vst v1  }
0x11b: {  	[tilespmem:$0xC960] =	vst v1  }
0x11c: {  	[tilespmem:$0xCD60] =	vst v1  }
0x11d: {  	[tilespmem:$0xC9E0] =	vst v1  }
0x11e: {  	[tilespmem:$0xCDE0] =	vst v1  }
0x11f: {  	[tilespmem:$0xCA60] =	vst v1  }
0x120: {  	[tilespmem:$0xCE60] =	vst v1  }
0x121: {  	[tilespmem:$0xCAE0] =	vst v1  }
0x122: {  	[tilespmem:$0xCEE0] =	vst v1  }
0x123: {  	[tilespmem:$0xC770] =	vst v1  }
0x124: {  	[tilespmem:$0xCB70] =	vst v1  }
0x125: {  	[tilespmem:$0xC7F0] =	vst v1  }
0x126: {  	[tilespmem:$0xCBF0] =	vst v1  }
0x127: {  	[tilespmem:$0xC870] =	vst v1  }
0x128: {  	[tilespmem:$0xCC70] =	vst v1  }
0x129: {  	[tilespmem:$0xC8F0] =	vst v1  }
0x12a: {  	[tilespmem:$0xCCF0] =	vst v1  }
0x12b: {  	[tilespmem:$0xC970] =	vst v1  }
0x12c: {  	[tilespmem:$0xCD70] =	vst v1  }
0x12d: {  	[tilespmem:$0xC9F0] =	vst v1  }
0x12e: {  	[tilespmem:$0xCDF0] =	vst v1  }
0x12f: {  	[tilespmem:$0xCA70] =	vst v1  }
0x130: {  	[tilespmem:$0xCE70] =	vst v1  }
0x131: {  	[tilespmem:$0xCAF0] =	vst v1  }
0x132: {  	[tilespmem:$0xCEF0] =	vst v1  }
0x133: {  	[tilespmem:$0xC780] =	vst v1  }
0x134: {  	[tilespmem:$0xCB80] =	vst v1  }
0x135: {  	[tilespmem:$0xC800] =	vst v1  }
0x136: {  	[tilespmem:$0xCC00] =	vst v1  }
0x137: {  	[tilespmem:$0xC880] =	vst v1  }
0x138: {  	[tilespmem:$0xCC80] =	vst v1  }
0x139: {  	[tilespmem:$0xC900] =	vst v1  }
0x13a: {  	[tilespmem:$0xCD00] =	vst v1  }
0x13b: {  	[tilespmem:$0xC980] =	vst v1  }
0x13c: {  	[tilespmem:$0xCD80] =	vst v1  }
0x13d: {  	[tilespmem:$0xCA00] =	vst v1  }
0x13e: {  	[tilespmem:$0xCE00] =	vst v1  }
0x13f: {  	[tilespmem:$0xCA80] =	vst v1  }
0x140: {  	[tilespmem:$0xCE80] =	vst v1  }
0x141: {  	[tilespmem:$0xCB00] =	vst v1  }
0x142: {  	s20 =	simm.s32 $0x1;
	[tilespmem:$0xCF00] =	vst v1  }
0x143: {  	_ =	swait.ge [sflag:s20], $0x2710  }
0x144: {  	s7 =	simm.s32 $0x0;
	[sflag:s20] =	ssyncset.done $0x0  }
0x145: {  	v4 =	vmov s7;
	[sflag:s20] =	ssyncadd.s32 $0xFFFFD8F0  }
0x146: {  	v4 =	vshll.u32 v4, $0x4;
	_ =	swait.ge [sflag:s0], $0x2800  }
0x147: {  	v5 =	vor.u32 v2, v4;
	[sflag:s0] =	ssyncset.done $0x0  }
0x148: {  	s7 =	simm.s32 $0xA000;
	[sflag:s0] =	ssyncadd.s32 $0xFFFFD800  }
0x149: {  	v4 =	vld [tilespmem:s7+$0x0];
	_ =	sdelay $0x2  }
0x14a: {  	v5 =	vld.idx.msk [tilespmem:v5+s26+$0x0], $0xffff  }
0x14b: {  	s31 =	simm.s32 $0x10  }
0x14c: {  	v6 =	vmov s31  }
0x14d: {  	s22 =	simm.s32 $0x20;
	v6 =	vshll.u32 v6, $0x4  }
.LBB2_34:
0x14e: {  	p0 =	sne.s32 s22, $0x270;
	v6 =	vor.u32 v2, v6  }
0x14f: {  	[tilespmem:v4+s1+$0x0] =	vst.idx.add.f32.msk $0xffff, v5  }
0x150: {  	s7 =	sadd.s32 $0x10, s7;
	[tilespmem:v4+s24+$0x0] =	vst.idx.add.f32.msk $0xffff, v3  }
0x151: {  	v4 =	vld [tilespmem:s7+$0x0];
	_ =	sdelay $0x1  }
.Ltmp16:
0x152: {  	v5 =	vld.idx.msk [tilespmem:v6+s26+$0x0], $0xffff;
	(pc) =	sbr.rel @p0 .LBB2_34-.Ltmp16, $3  }
0x153: {  	_ =	sdelay $0x1  }
0x154: {  	v6 =	vmov s22  }
0x155: {  	s22 =	sadd.s32 $0x10, s22;
	v6 =	vshll.u32 v6, $0x4  }
0x156: {  	_ =	sdelay $0x3  }
0x157: {  	v6 =	vor.u32 v2, v6;
	[tilespmem:v4+s1+$0x0] =	vst.idx.add.f32.msk $0xffff, v5  }
0x158: {  	s7 =	sadd.s32 $0x10, s7;
	[tilespmem:v4+s24+$0x0] =	vst.idx.add.f32.msk $0xffff, v3  }
0x159: {  	v4 =	vld [tilespmem:s7+$0x0];
	_ =	sdelay $0x2  }
0x15a: {  	v5 =	vld.idx.msk [tilespmem:v6+s26+$0x0], $0xffff;
	_ =	sdelay $0x4  }
0x15b: {  	[tilespmem:v4+s1+$0x0] =	vst.idx.add.f32.msk $0xffff, v5  }
0x15c: {  	s22 =	simm.s32 $0x0;
	s31 =	simm.s32 $0x780;
	[tilespmem:v4+s24+$0x0] =	vst.idx.add.f32.msk $0xffff, v3  }
0x15d: {  	v5 =	vmov s22;
	[tilespmem:s26], [sflag:$0x2] =	stream.indirect.gather [hbm4b:s3+s25], $0x10, s31, s25, $0xb8;
	[tilespmem:$0xCF10] =	vst v63  }
0x15e: {  	v4 =	vshll.u32 v5, $0x4;
	_ =	swait.ge [sflag:s29], $0x2800  }
0x15f: {  	v5 =	vor.u32 v2, v4;
	[sflag:s29] =	ssyncset.done $0x0  }
0x160: {  	s7 =	simm.s32 $0xA280;
	[sflag:s29] =	ssyncadd.s32 $0xFFFFD800  }
0x161: {  	v4 =	vld [tilespmem:s7+$0x0];
	_ =	sdelay $0x2  }
0x162: {  	v5 =	vld.idx.msk [tilespmem:v5+s28+$0x0], $0xffff  }
0x163: {  	s20 =	simm.s32 $0x10  }
0x164: {  	v6 =	vmov s20  }
0x165: {  	v6 =	vshll.u32 v6, $0x4;
	s22 =	simm.s32 $0x20  }
.LBB2_36:
0x166: {  	p0 =	sne.s32 s22, $0x270;
	v6 =	vor.u32 v2, v6  }
0x167: {  	[tilespmem:v4+s1+$0x0] =	vst.idx.add.f32.msk $0xffff, v5  }
0x168: {  	s7 =	sadd.s32 $0x10, s7;
	[tilespmem:v4+s24+$0x0] =	vst.idx.add.f32.msk $0xffff, v3  }
0x169: {  	v4 =	vld [tilespmem:s7+$0x0];
	_ =	sdelay $0x1  }
.Ltmp17:
0x16a: {  	v5 =	vld.idx.msk [tilespmem:v6+s28+$0x0], $0xffff;
	(pc) =	sbr.rel @p0 .LBB2_36-.Ltmp17, $3  }
0x16b: {  	_ =	sdelay $0x1  }
0x16c: {  	v6 =	vmov s22  }
0x16d: {  	s22 =	sadd.s32 $0x10, s22;
	v6 =	vshll.u32 v6, $0x4  }
0x16e: {  	_ =	sdelay $0x3  }
0x16f: {  	v6 =	vor.u32 v2, v6;
	[tilespmem:v4+s1+$0x0] =	vst.idx.add.f32.msk $0xffff, v5  }
0x170: {  	s7 =	sadd.s32 $0x10, s7;
	[tilespmem:v4+s24+$0x0] =	vst.idx.add.f32.msk $0xffff, v3  }
0x171: {  	v4 =	vld [tilespmem:s7+$0x0];
	_ =	sdelay $0x2  }
0x172: {  	v5 =	vld.idx.msk [tilespmem:v6+s28+$0x0], $0xffff;
	_ =	sdelay $0x4  }
0x173: {  	[tilespmem:v4+s1+$0x0] =	vst.idx.add.f32.msk $0xffff, v5  }
0x174: {  	s22 =	simm.s32 $0x0;
	s31 =	simm.s32 $0xA00;
	[tilespmem:v4+s24+$0x0] =	vst.idx.add.f32.msk $0xffff, v3  }
0x175: {  	v5 =	vmov s22;
	[tilespmem:s28], [sflag:$0x3] =	stream.indirect.gather [hbm4b:s3+s25], $0x10, s31, s25, $0xb8;
	[tilespmem:$0xCF10] =	vst v63  }
0x176: {  	v4 =	vshll.u32 v5, $0x4;
	_ =	swait.ge [sflag:s4], $0x2800  }
0x177: {  	v5 =	vor.u32 v2, v4;
	[sflag:s4] =	ssyncset.done $0x0  }
0x178: {  	s7 =	simm.s32 $0xA500;
	[sflag:s4] =	ssyncadd.s32 $0xFFFFD800  }
0x179: {  	v4 =	vld [tilespmem:s7+$0x0];
	_ =	sdelay $0x2  }
0x17a: {  	v5 =	vld.idx.msk [tilespmem:v5+s30+$0x0], $0xffff  }
0x17b: {  	s20 =	simm.s32 $0x10  }
0x17c: {  	v6 =	vmov s20  }
0x17d: {  	v6 =	vshll.u32 v6, $0x4;
	s22 =	simm.s32 $0x20  }
.LBB2_38:
0x17e: {  	p0 =	sne.s32 s22, $0x270;
	v6 =	vor.u32 v2, v6  }
0x17f: {  	[tilespmem:v4+s1+$0x0] =	vst.idx.add.f32.msk $0xffff, v5  }
0x180: {  	s7 =	sadd.s32 $0x10, s7;
	[tilespmem:v4+s24+$0x0] =	vst.idx.add.f32.msk $0xffff, v3  }
0x181: {  	v4 =	vld [tilespmem:s7+$0x0];
	_ =	sdelay $0x1  }
.Ltmp18:
0x182: {  	v5 =	vld.idx.msk [tilespmem:v6+s30+$0x0], $0xffff;
	(pc) =	sbr.rel @p0 .LBB2_38-.Ltmp18, $3  }
0x183: {  	_ =	sdelay $0x1  }
0x184: {  	v6 =	vmov s22  }
0x185: {  	s22 =	sadd.s32 $0x10, s22;
	v6 =	vshll.u32 v6, $0x4  }
0x186: {  	_ =	sdelay $0x3  }
0x187: {  	v6 =	vor.u32 v2, v6;
	[tilespmem:v4+s1+$0x0] =	vst.idx.add.f32.msk $0xffff, v5  }
0x188: {  	s7 =	sadd.s32 $0x10, s7;
	[tilespmem:v4+s24+$0x0] =	vst.idx.add.f32.msk $0xffff, v3  }
0x189: {  	v4 =	vld [tilespmem:s7+$0x0];
	_ =	sdelay $0x2  }
0x18a: {  	v5 =	vld.idx.msk [tilespmem:v6+s30+$0x0], $0xffff;
	_ =	sdelay $0x4  }
0x18b: {  	[tilespmem:v4+s1+$0x0] =	vst.idx.add.f32.msk $0xffff, v5  }
0x18c: {  	s22 =	simm.s32 $0x0;
	s31 =	simm.s32 $0xC80;
	[tilespmem:v4+s24+$0x0] =	vst.idx.add.f32.msk $0xffff, v3  }
0x18d: {  	v5 =	vmov s22;
	[tilespmem:s30], [sflag:$0x4] =	stream.indirect.gather [hbm4b:s3+s25], $0x10, s31, s25, $0xb8;
	[tilespmem:$0xCF10] =	vst v63  }
0x18e: {  	v4 =	vshll.u32 v5, $0x4;
	_ =	swait.ge [sflag:s0], $0x2800  }
0x18f: {  	v5 =	vor.u32 v2, v4;
	[sflag:s0] =	ssyncset.done $0x0  }
0x190: {  	s7 =	simm.s32 $0xA780;
	[sflag:s0] =	ssyncadd.s32 $0xFFFFD800  }
0x191: {  	v4 =	vld [tilespmem:s7+$0x0];
	_ =	sdelay $0x2  }
0x192: {  	v5 =	vld.idx.msk [tilespmem:v5+s26+$0x0], $0xffff  }
0x193: {  	s20 =	simm.s32 $0x10  }
0x194: {  	v6 =	vmov s20  }
0x195: {  	v6 =	vshll.u32 v6, $0x4;
	s22 =	simm.s32 $0x20  }
.LBB2_40:
0x196: {  	p0 =	sne.s32 s22, $0x270;
	v6 =	vor.u32 v2, v6  }
0x197: {  	[tilespmem:v4+s1+$0x0] =	vst.idx.add.f32.msk $0xffff, v5  }
0x198: {  	s7 =	sadd.s32 $0x10, s7;
	[tilespmem:v4+s24+$0x0] =	vst.idx.add.f32.msk $0xffff, v3  }
0x199: {  	v4 =	vld [tilespmem:s7+$0x0];
	_ =	sdelay $0x1  }
.Ltmp19:
0x19a: {  	v5 =	vld.idx.msk [tilespmem:v6+s26+$0x0], $0xffff;
	(pc) =	sbr.rel @p0 .LBB2_40-.Ltmp19, $3  }
0x19b: {  	_ =	sdelay $0x1  }
0x19c: {  	v6 =	vmov s22  }
0x19d: {  	s22 =	sadd.s32 $0x10, s22;
	v6 =	vshll.u32 v6, $0x4  }
0x19e: {  	_ =	sdelay $0x3  }
0x19f: {  	v6 =	vor.u32 v2, v6;
	[tilespmem:v4+s1+$0x0] =	vst.idx.add.f32.msk $0xffff, v5  }
0x1a0: {  	s7 =	sadd.s32 $0x10, s7;
	[tilespmem:v4+s24+$0x0] =	vst.idx.add.f32.msk $0xffff, v3  }
0x1a1: {  	v4 =	vld [tilespmem:s7+$0x0];
	_ =	sdelay $0x2  }
0x1a2: {  	v5 =	vld.idx.msk [tilespmem:v6+s26+$0x0], $0xffff;
	_ =	sdelay $0x4  }
0x1a3: {  	[tilespmem:v4+s1+$0x0] =	vst.idx.add.f32.msk $0xffff, v5  }
0x1a4: {  	s22 =	simm.s32 $0x0;
	s31 =	simm.s32 $0xF00;
	[tilespmem:v4+s24+$0x0] =	vst.idx.add.f32.msk $0xffff, v3  }
0x1a5: {  	v5 =	vmov s22;
	[tilespmem:s26], [sflag:$0x2] =	stream.indirect.gather [hbm4b:s3+s25], $0x10, s31, s25, $0xb8;
	[tilespmem:$0xCF10] =	vst v63  }
0x1a6: {  	v4 =	vshll.u32 v5, $0x4;
	_ =	swait.ge [sflag:s29], $0x2800  }
0x1a7: {  	v5 =	vor.u32 v2, v4;
	[sflag:s29] =	ssyncset.done $0x0  }
0x1a8: {  	s7 =	simm.s32 $0xAA00;
	[sflag:s29] =	ssyncadd.s32 $0xFFFFD800  }
0x1a9: {  	v4 =	vld [tilespmem:s7+$0x0];
	_ =	sdelay $0x2  }
0x1aa: {  	v5 =	vld.idx.msk [tilespmem:v5+s28+$0x0], $0xffff  }
0x1ab: {  	s20 =	simm.s32 $0x10  }
0x1ac: {  	v6 =	vmov s20  }
0x1ad: {  	v6 =	vshll.u32 v6, $0x4;
	s22 =	simm.s32 $0x20  }
.LBB2_42:
0x1ae: {  	p0 =	sne.s32 s22, $0x270;
	v6 =	vor.u32 v2, v6  }
0x1af: {  	[tilespmem:v4+s1+$0x0] =	vst.idx.add.f32.msk $0xffff, v5  }
0x1b0: {  	s7 =	sadd.s32 $0x10, s7;
	[tilespmem:v4+s24+$0x0] =	vst.idx.add.f32.msk $0xffff, v3  }
0x1b1: {  	v4 =	vld [tilespmem:s7+$0x0];
	_ =	sdelay $0x1  }
.Ltmp20:
0x1b2: {  	v5 =	vld.idx.msk [tilespmem:v6+s28+$0x0], $0xffff;
	(pc) =	sbr.rel @p0 .LBB2_42-.Ltmp20, $3  }
0x1b3: {  	_ =	sdelay $0x1  }
0x1b4: {  	v6 =	vmov s22  }
0x1b5: {  	s22 =	sadd.s32 $0x10, s22;
	v6 =	vshll.u32 v6, $0x4  }
0x1b6: {  	_ =	sdelay $0x3  }
0x1b7: {  	v6 =	vor.u32 v2, v6;
	[tilespmem:v4+s1+$0x0] =	vst.idx.add.f32.msk $0xffff, v5  }
0x1b8: {  	s7 =	sadd.s32 $0x10, s7;
	[tilespmem:v4+s24+$0x0] =	vst.idx.add.f32.msk $0xffff, v3  }
0x1b9: {  	v4 =	vld [tilespmem:s7+$0x0];
	_ =	sdelay $0x2  }
0x1ba: {  	v5 =	vld.idx.msk [tilespmem:v6+s28+$0x0], $0xffff;
	_ =	sdelay $0x4  }
0x1bb: {  	[tilespmem:v4+s1+$0x0] =	vst.idx.add.f32.msk $0xffff, v5  }
0x1bc: {  	s22 =	simm.s32 $0x0;
	s31 =	simm.s32 $0x1180;
	[tilespmem:v4+s24+$0x0] =	vst.idx.add.f32.msk $0xffff, v3  }
0x1bd: {  	v5 =	vmov s22;
	[tilespmem:s28], [sflag:$0x3] =	stream.indirect.gather [hbm4b:s3+s25], $0x10, s31, s25, $0xb8;
	[tilespmem:$0xCF10] =	vst v63  }
0x1be: {  	v4 =	vshll.u32 v5, $0x4;
	_ =	swait.ge [sflag:s4], $0x2800  }
0x1bf: {  	v5 =	vor.u32 v2, v4;
	[sflag:s4] =	ssyncset.done $0x0  }
0x1c0: {  	s7 =	simm.s32 $0xAC80;
	[sflag:s4] =	ssyncadd.s32 $0xFFFFD800  }
0x1c1: {  	v4 =	vld [tilespmem:s7+$0x0];
	_ =	sdelay $0x2  }
0x1c2: {  	v5 =	vld.idx.msk [tilespmem:v5+s30+$0x0], $0xffff  }
0x1c3: {  	s20 =	simm.s32 $0x10  }
0x1c4: {  	v6 =	vmov s20  }
0x1c5: {  	v6 =	vshll.u32 v6, $0x4;
	s22 =	simm.s32 $0x20  }
.LBB2_44:
0x1c6: {  	p0 =	sne.s32 s22, $0x270;
	v6 =	vor.u32 v2, v6  }
0x1c7: {  	[tilespmem:v4+s1+$0x0] =	vst.idx.add.f32.msk $0xffff, v5  }
0x1c8: {  	s7 =	sadd.s32 $0x10, s7;
	[tilespmem:v4+s24+$0x0] =	vst.idx.add.f32.msk $0xffff, v3  }
0x1c9: {  	v4 =	vld [tilespmem:s7+$0x0];
	_ =	sdelay $0x1  }
.Ltmp21:
0x1ca: {  	v5 =	vld.idx.msk [tilespmem:v6+s30+$0x0], $0xffff;
	(pc) =	sbr.rel @p0 .LBB2_44-.Ltmp21, $3  }
0x1cb: {  	_ =	sdelay $0x1  }
0x1cc: {  	v6 =	vmov s22  }
0x1cd: {  	s22 =	sadd.s32 $0x10, s22;
	v6 =	vshll.u32 v6, $0x4  }
0x1ce: {  	_ =	sdelay $0x3  }
0x1cf: {  	v6 =	vor.u32 v2, v6;
	[tilespmem:v4+s1+$0x0] =	vst.idx.add.f32.msk $0xffff, v5  }
0x1d0: {  	s7 =	sadd.s32 $0x10, s7;
	[tilespmem:v4+s24+$0x0] =	vst.idx.add.f32.msk $0xffff, v3  }
0x1d1: {  	v4 =	vld [tilespmem:s7+$0x0];
	_ =	sdelay $0x2  }
0x1d2: {  	v5 =	vld.idx.msk [tilespmem:v6+s30+$0x0], $0xffff;
	_ =	sdelay $0x4  }
0x1d3: {  	[tilespmem:v4+s1+$0x0] =	vst.idx.add.f32.msk $0xffff, v5  }
0x1d4: {  	s22 =	simm.s32 $0x0;
	s31 =	simm.s32 $0x1400;
	[tilespmem:v4+s24+$0x0] =	vst.idx.add.f32.msk $0xffff, v3  }
0x1d5: {  	v5 =	vmov s22;
	[tilespmem:s30], [sflag:$0x4] =	stream.indirect.gather [hbm4b:s3+s25], $0x10, s31, s25, $0xb8;
	[tilespmem:$0xCF10] =	vst v63  }
0x1d6: {  	v4 =	vshll.u32 v5, $0x4;
	_ =	swait.ge [sflag:s0], $0x2800  }
0x1d7: {  	v5 =	vor.u32 v2, v4;
	[sflag:s0] =	ssyncset.done $0x0  }
0x1d8: {  	s7 =	simm.s32 $0xAF00;
	[sflag:s0] =	ssyncadd.s32 $0xFFFFD800  }
0x1d9: {  	v4 =	vld [tilespmem:s7+$0x0];
	_ =	sdelay $0x2  }
0x1da: {  	v5 =	vld.idx.msk [tilespmem:v5+s26+$0x0], $0xffff  }
0x1db: {  	s20 =	simm.s32 $0x10  }
0x1dc: {  	v6 =	vmov s20  }
0x1dd: {  	v6 =	vshll.u32 v6, $0x4;
	s22 =	simm.s32 $0x20  }
.LBB2_46:
0x1de: {  	p0 =	sne.s32 s22, $0x270;
	v6 =	vor.u32 v2, v6  }
0x1df: {  	[tilespmem:v4+s1+$0x0] =	vst.idx.add.f32.msk $0xffff, v5  }
0x1e0: {  	s7 =	sadd.s32 $0x10, s7;
	[tilespmem:v4+s24+$0x0] =	vst.idx.add.f32.msk $0xffff, v3  }
0x1e1: {  	v4 =	vld [tilespmem:s7+$0x0];
	_ =	sdelay $0x1  }
.Ltmp22:
0x1e2: {  	v5 =	vld.idx.msk [tilespmem:v6+s26+$0x0], $0xffff;
	(pc) =	sbr.rel @p0 .LBB2_46-.Ltmp22, $3  }
0x1e3: {  	_ =	sdelay $0x1  }
0x1e4: {  	v6 =	vmov s22  }
0x1e5: {  	s22 =	sadd.s32 $0x10, s22;
	v6 =	vshll.u32 v6, $0x4  }
0x1e6: {  	_ =	sdelay $0x3  }
0x1e7: {  	v6 =	vor.u32 v2, v6;
	[tilespmem:v4+s1+$0x0] =	vst.idx.add.f32.msk $0xffff, v5  }
0x1e8: {  	s7 =	sadd.s32 $0x10, s7;
	[tilespmem:v4+s24+$0x0] =	vst.idx.add.f32.msk $0xffff, v3  }
0x1e9: {  	v4 =	vld [tilespmem:s7+$0x0];
	_ =	sdelay $0x2  }
0x1ea: {  	v5 =	vld.idx.msk [tilespmem:v6+s26+$0x0], $0xffff;
	_ =	sdelay $0x4  }
0x1eb: {  	[tilespmem:v4+s1+$0x0] =	vst.idx.add.f32.msk $0xffff, v5  }
0x1ec: {  	s22 =	simm.s32 $0x0;
	s31 =	simm.s32 $0x1680;
	[tilespmem:v4+s24+$0x0] =	vst.idx.add.f32.msk $0xffff, v3  }
0x1ed: {  	v5 =	vmov s22;
	[tilespmem:s26], [sflag:$0x2] =	stream.indirect.gather [hbm4b:s3+s25], $0x10, s31, s25, $0xb8;
	[tilespmem:$0xCF10] =	vst v63  }
0x1ee: {  	v4 =	vshll.u32 v5, $0x4;
	_ =	swait.ge [sflag:s29], $0x2800  }
0x1ef: {  	v5 =	vor.u32 v2, v4;
	[sflag:s29] =	ssyncset.done $0x0  }
0x1f0: {  	s7 =	simm.s32 $0xB180;
	[sflag:s29] =	ssyncadd.s32 $0xFFFFD800  }
0x1f1: {  	v4 =	vld [tilespmem:s7+$0x0];
	_ =	sdelay $0x2  }
0x1f2: {  	v5 =	vld.idx.msk [tilespmem:v5+s28+$0x0], $0xffff  }
0x1f3: {  	s20 =	simm.s32 $0x10  }
0x1f4: {  	v6 =	vmov s20  }
0x1f5: {  	v6 =	vshll.u32 v6, $0x4;
	s22 =	simm.s32 $0x20  }
.LBB2_48:
0x1f6: {  	p0 =	sne.s32 s22, $0x270;
	v6 =	vor.u32 v2, v6  }
0x1f7: {  	[tilespmem:v4+s1+$0x0] =	vst.idx.add.f32.msk $0xffff, v5  }
0x1f8: {  	s7 =	sadd.s32 $0x10, s7;
	[tilespmem:v4+s24+$0x0] =	vst.idx.add.f32.msk $0xffff, v3  }
0x1f9: {  	v4 =	vld [tilespmem:s7+$0x0];
	_ =	sdelay $0x1  }
.Ltmp23:
0x1fa: {  	v5 =	vld.idx.msk [tilespmem:v6+s28+$0x0], $0xffff;
	(pc) =	sbr.rel @p0 .LBB2_48-.Ltmp23, $3  }
0x1fb: {  	_ =	sdelay $0x1  }
0x1fc: {  	v6 =	vmov s22  }
0x1fd: {  	s22 =	sadd.s32 $0x10, s22;
	v6 =	vshll.u32 v6, $0x4  }
0x1fe: {  	_ =	sdelay $0x3  }
0x1ff: {  	v6 =	vor.u32 v2, v6;
	[tilespmem:v4+s1+$0x0] =	vst.idx.add.f32.msk $0xffff, v5  }
0x200: {  	s7 =	sadd.s32 $0x10, s7;
	[tilespmem:v4+s24+$0x0] =	vst.idx.add.f32.msk $0xffff, v3  }
0x201: {  	v4 =	vld [tilespmem:s7+$0x0];
	_ =	sdelay $0x2  }
0x202: {  	v5 =	vld.idx.msk [tilespmem:v6+s28+$0x0], $0xffff;
	_ =	sdelay $0x4  }
0x203: {  	[tilespmem:v4+s1+$0x0] =	vst.idx.add.f32.msk $0xffff, v5  }
0x204: {  	s22 =	simm.s32 $0x0;
	s31 =	simm.s32 $0x1900;
	[tilespmem:v4+s24+$0x0] =	vst.idx.add.f32.msk $0xffff, v3  }
0x205: {  	v5 =	vmov s22;
	[tilespmem:s28], [sflag:$0x3] =	stream.indirect.gather [hbm4b:s3+s25], $0x10, s31, s25, $0xb8;
	[tilespmem:$0xCF10] =	vst v63  }
0x206: {  	v4 =	vshll.u32 v5, $0x4;
	_ =	swait.ge [sflag:s4], $0x2800  }
0x207: {  	v5 =	vor.u32 v2, v4;
	[sflag:s4] =	ssyncset.done $0x0  }
0x208: {  	s7 =	simm.s32 $0xB400;
	[sflag:s4] =	ssyncadd.s32 $0xFFFFD800  }
0x209: {  	v4 =	vld [tilespmem:s7+$0x0];
	_ =	sdelay $0x2  }
0x20a: {  	v5 =	vld.idx.msk [tilespmem:v5+s30+$0x0], $0xffff  }
0x20b: {  	s20 =	simm.s32 $0x10  }
0x20c: {  	v6 =	vmov s20  }
0x20d: {  	v6 =	vshll.u32 v6, $0x4;
	s22 =	simm.s32 $0x20  }
.LBB2_50:
0x20e: {  	p0 =	sne.s32 s22, $0x270;
	v6 =	vor.u32 v2, v6  }
0x20f: {  	[tilespmem:v4+s1+$0x0] =	vst.idx.add.f32.msk $0xffff, v5  }
0x210: {  	s7 =	sadd.s32 $0x10, s7;
	[tilespmem:v4+s24+$0x0] =	vst.idx.add.f32.msk $0xffff, v3  }
0x211: {  	v4 =	vld [tilespmem:s7+$0x0];
	_ =	sdelay $0x1  }
.Ltmp24:
0x212: {  	v5 =	vld.idx.msk [tilespmem:v6+s30+$0x0], $0xffff;
	(pc) =	sbr.rel @p0 .LBB2_50-.Ltmp24, $3  }
0x213: {  	_ =	sdelay $0x1  }
0x214: {  	v6 =	vmov s22  }
0x215: {  	s22 =	sadd.s32 $0x10, s22;
	v6 =	vshll.u32 v6, $0x4  }
0x216: {  	_ =	sdelay $0x3  }
0x217: {  	v6 =	vor.u32 v2, v6;
	[tilespmem:v4+s1+$0x0] =	vst.idx.add.f32.msk $0xffff, v5  }
0x218: {  	s7 =	sadd.s32 $0x10, s7;
	[tilespmem:v4+s24+$0x0] =	vst.idx.add.f32.msk $0xffff, v3  }
0x219: {  	v4 =	vld [tilespmem:s7+$0x0];
	_ =	sdelay $0x2  }
0x21a: {  	v5 =	vld.idx.msk [tilespmem:v6+s30+$0x0], $0xffff;
	_ =	sdelay $0x4  }
0x21b: {  	[tilespmem:v4+s1+$0x0] =	vst.idx.add.f32.msk $0xffff, v5  }
0x21c: {  	s22 =	simm.s32 $0x0;
	s31 =	simm.s32 $0x1B80;
	[tilespmem:v4+s24+$0x0] =	vst.idx.add.f32.msk $0xffff, v3  }
0x21d: {  	v5 =	vmov s22;
	[tilespmem:s30], [sflag:$0x4] =	stream.indirect.gather [hbm4b:s3+s25], $0x10, s31, s25, $0xb8;
	[tilespmem:$0xCF10] =	vst v63  }
0x21e: {  	v4 =	vshll.u32 v5, $0x4;
	_ =	swait.ge [sflag:s0], $0x2800  }
0x21f: {  	v5 =	vor.u32 v2, v4;
	[sflag:s0] =	ssyncset.done $0x0  }
0x220: {  	s7 =	simm.s32 $0xB680;
	[sflag:s0] =	ssyncadd.s32 $0xFFFFD800  }
0x221: {  	v4 =	vld [tilespmem:s7+$0x0];
	_ =	sdelay $0x2  }
0x222: {  	v5 =	vld.idx.msk [tilespmem:v5+s26+$0x0], $0xffff  }
0x223: {  	s20 =	simm.s32 $0x10  }
0x224: {  	v6 =	vmov s20  }
0x225: {  	v6 =	vshll.u32 v6, $0x4;
	s22 =	simm.s32 $0x20  }
.LBB2_52:
0x226: {  	p0 =	sne.s32 s22, $0x270;
	v6 =	vor.u32 v2, v6  }
0x227: {  	[tilespmem:v4+s1+$0x0] =	vst.idx.add.f32.msk $0xffff, v5  }
0x228: {  	s7 =	sadd.s32 $0x10, s7;
	[tilespmem:v4+s24+$0x0] =	vst.idx.add.f32.msk $0xffff, v3  }
0x229: {  	v4 =	vld [tilespmem:s7+$0x0];
	_ =	sdelay $0x1  }
.Ltmp25:
0x22a: {  	v5 =	vld.idx.msk [tilespmem:v6+s26+$0x0], $0xffff;
	(pc) =	sbr.rel @p0 .LBB2_52-.Ltmp25, $3  }
0x22b: {  	_ =	sdelay $0x1  }
0x22c: {  	v6 =	vmov s22  }
0x22d: {  	s22 =	sadd.s32 $0x10, s22;
	v6 =	vshll.u32 v6, $0x4  }
0x22e: {  	_ =	sdelay $0x3  }
0x22f: {  	v6 =	vor.u32 v2, v6;
	[tilespmem:v4+s1+$0x0] =	vst.idx.add.f32.msk $0xffff, v5  }
0x230: {  	s7 =	sadd.s32 $0x10, s7;
	[tilespmem:v4+s24+$0x0] =	vst.idx.add.f32.msk $0xffff, v3  }
0x231: {  	v4 =	vld [tilespmem:s7+$0x0];
	_ =	sdelay $0x2  }
0x232: {  	v5 =	vld.idx.msk [tilespmem:v6+s26+$0x0], $0xffff;
	_ =	sdelay $0x4  }
0x233: {  	[tilespmem:v4+s1+$0x0] =	vst.idx.add.f32.msk $0xffff, v5  }
0x234: {  	s22 =	simm.s32 $0x0;
	s31 =	simm.s32 $0x1E00;
	[tilespmem:v4+s24+$0x0] =	vst.idx.add.f32.msk $0xffff, v3  }
0x235: {  	v5 =	vmov s22;
	[tilespmem:s26], [sflag:$0x2] =	stream.indirect.gather [hbm4b:s3+s25], $0x10, s31, s25, $0xb8;
	[tilespmem:$0xCF10] =	vst v63  }
0x236: {  	v4 =	vshll.u32 v5, $0x4;
	_ =	swait.ge [sflag:s29], $0x2800  }
0x237: {  	v5 =	vor.u32 v2, v4;
	[sflag:s29] =	ssyncset.done $0x0  }
0x238: {  	s7 =	simm.s32 $0xB900;
	[sflag:s29] =	ssyncadd.s32 $0xFFFFD800  }
0x239: {  	v4 =	vld [tilespmem:s7+$0x0];
	_ =	sdelay $0x2  }
0x23a: {  	v5 =	vld.idx.msk [tilespmem:v5+s28+$0x0], $0xffff  }
0x23b: {  	s20 =	simm.s32 $0x10  }
0x23c: {  	v6 =	vmov s20  }
0x23d: {  	v6 =	vshll.u32 v6, $0x4;
	s22 =	simm.s32 $0x20  }
.LBB2_54:
0x23e: {  	p0 =	sne.s32 s22, $0x270;
	v6 =	vor.u32 v2, v6  }
0x23f: {  	[tilespmem:v4+s1+$0x0] =	vst.idx.add.f32.msk $0xffff, v5  }
0x240: {  	s7 =	sadd.s32 $0x10, s7;
	[tilespmem:v4+s24+$0x0] =	vst.idx.add.f32.msk $0xffff, v3  }
0x241: {  	v4 =	vld [tilespmem:s7+$0x0];
	_ =	sdelay $0x1  }
.Ltmp26:
0x242: {  	v5 =	vld.idx.msk [tilespmem:v6+s28+$0x0], $0xffff;
	(pc) =	sbr.rel @p0 .LBB2_54-.Ltmp26, $3  }
0x243: {  	_ =	sdelay $0x1  }
0x244: {  	v6 =	vmov s22  }
0x245: {  	s22 =	sadd.s32 $0x10, s22;
	v6 =	vshll.u32 v6, $0x4  }
0x246: {  	_ =	sdelay $0x3  }
0x247: {  	v6 =	vor.u32 v2, v6;
	[tilespmem:v4+s1+$0x0] =	vst.idx.add.f32.msk $0xffff, v5  }
0x248: {  	s7 =	sadd.s32 $0x10, s7;
	[tilespmem:v4+s24+$0x0] =	vst.idx.add.f32.msk $0xffff, v3  }
0x249: {  	v4 =	vld [tilespmem:s7+$0x0];
	_ =	sdelay $0x2  }
0x24a: {  	v5 =	vld.idx.msk [tilespmem:v6+s28+$0x0], $0xffff;
	_ =	sdelay $0x4  }
0x24b: {  	[tilespmem:v4+s1+$0x0] =	vst.idx.add.f32.msk $0xffff, v5  }
0x24c: {  	s22 =	simm.s32 $0x0;
	s31 =	simm.s32 $0x2080;
	[tilespmem:v4+s24+$0x0] =	vst.idx.add.f32.msk $0xffff, v3  }
0x24d: {  	v5 =	vmov s22;
	[tilespmem:s28], [sflag:$0x3] =	stream.indirect.gather [hbm4b:s3+s25], $0x10, s31, s25, $0xb8;
	[tilespmem:$0xCF10] =	vst v63  }
0x24e: {  	v4 =	vshll.u32 v5, $0x4;
	_ =	swait.ge [sflag:s4], $0x2800  }
0x24f: {  	v5 =	vor.u32 v2, v4;
	[sflag:s4] =	ssyncset.done $0x0  }
0x250: {  	s7 =	simm.s32 $0xBB80;
	[sflag:s4] =	ssyncadd.s32 $0xFFFFD800  }
0x251: {  	v4 =	vld [tilespmem:s7+$0x0];
	_ =	sdelay $0x2  }
0x252: {  	v5 =	vld.idx.msk [tilespmem:v5+s30+$0x0], $0xffff  }
0x253: {  	s20 =	simm.s32 $0x10  }
0x254: {  	v6 =	vmov s20  }
0x255: {  	v6 =	vshll.u32 v6, $0x4;
	s22 =	simm.s32 $0x20  }
.LBB2_56:
0x256: {  	p0 =	sne.s32 s22, $0x270;
	v6 =	vor.u32 v2, v6  }
0x257: {  	[tilespmem:v4+s1+$0x0] =	vst.idx.add.f32.msk $0xffff, v5  }
0x258: {  	s7 =	sadd.s32 $0x10, s7;
	[tilespmem:v4+s24+$0x0] =	vst.idx.add.f32.msk $0xffff, v3  }
0x259: {  	v4 =	vld [tilespmem:s7+$0x0];
	_ =	sdelay $0x1  }
.Ltmp27:
0x25a: {  	v5 =	vld.idx.msk [tilespmem:v6+s30+$0x0], $0xffff;
	(pc) =	sbr.rel @p0 .LBB2_56-.Ltmp27, $3  }
0x25b: {  	_ =	sdelay $0x1  }
0x25c: {  	v6 =	vmov s22  }
0x25d: {  	s22 =	sadd.s32 $0x10, s22;
	v6 =	vshll.u32 v6, $0x4  }
0x25e: {  	_ =	sdelay $0x3  }
0x25f: {  	v6 =	vor.u32 v2, v6;
	[tilespmem:v4+s1+$0x0] =	vst.idx.add.f32.msk $0xffff, v5  }
0x260: {  	s7 =	sadd.s32 $0x10, s7;
	[tilespmem:v4+s24+$0x0] =	vst.idx.add.f32.msk $0xffff, v3  }
0x261: {  	v4 =	vld [tilespmem:s7+$0x0];
	_ =	sdelay $0x2  }
0x262: {  	v5 =	vld.idx.msk [tilespmem:v6+s30+$0x0], $0xffff;
	_ =	sdelay $0x4  }
0x263: {  	[tilespmem:v4+s1+$0x0] =	vst.idx.add.f32.msk $0xffff, v5  }
0x264: {  	s22 =	simm.s32 $0x0;
	s31 =	simm.s32 $0x2300;
	[tilespmem:v4+s24+$0x0] =	vst.idx.add.f32.msk $0xffff, v3  }
0x265: {  	v5 =	vmov s22;
	[tilespmem:s30], [sflag:$0x4] =	stream.indirect.gather [hbm4b:s3+s25], $0x10, s31, s25, $0xb8;
	[tilespmem:$0xCF10] =	vst v63  }
0x266: {  	v4 =	vshll.u32 v5, $0x4;
	_ =	swait.ge [sflag:s0], $0x2800  }
0x267: {  	v5 =	vor.u32 v2, v4;
	[sflag:s0] =	ssyncset.done $0x0  }
0x268: {  	s7 =	simm.s32 $0xBE00;
	[sflag:s0] =	ssyncadd.s32 $0xFFFFD800  }
0x269: {  	v4 =	vld [tilespmem:s7+$0x0];
	_ =	sdelay $0x2  }
0x26a: {  	v5 =	vld.idx.msk [tilespmem:v5+s26+$0x0], $0xffff  }
0x26b: {  	s20 =	simm.s32 $0x10  }
0x26c: {  	v6 =	vmov s20  }
0x26d: {  	v6 =	vshll.u32 v6, $0x4;
	s22 =	simm.s32 $0x20  }
.LBB2_58:
0x26e: {  	p0 =	sne.s32 s22, $0x270;
	v6 =	vor.u32 v2, v6  }
0x26f: {  	[tilespmem:v4+s1+$0x0] =	vst.idx.add.f32.msk $0xffff, v5  }
0x270: {  	s7 =	sadd.s32 $0x10, s7;
	[tilespmem:v4+s24+$0x0] =	vst.idx.add.f32.msk $0xffff, v3  }
0x271: {  	v4 =	vld [tilespmem:s7+$0x0];
	_ =	sdelay $0x1  }
.Ltmp28:
0x272: {  	v5 =	vld.idx.msk [tilespmem:v6+s26+$0x0], $0xffff;
	(pc) =	sbr.rel @p0 .LBB2_58-.Ltmp28, $3  }
0x273: {  	_ =	sdelay $0x1  }
0x274: {  	v6 =	vmov s22  }
0x275: {  	s22 =	sadd.s32 $0x10, s22;
	v6 =	vshll.u32 v6, $0x4  }
0x276: {  	_ =	sdelay $0x3  }
0x277: {  	v6 =	vor.u32 v2, v6;
	[tilespmem:v4+s1+$0x0] =	vst.idx.add.f32.msk $0xffff, v5  }
0x278: {  	s7 =	sadd.s32 $0x10, s7;
	[tilespmem:v4+s24+$0x0] =	vst.idx.add.f32.msk $0xffff, v3  }
0x279: {  	v4 =	vld [tilespmem:s7+$0x0];
	_ =	sdelay $0x2  }
0x27a: {  	v5 =	vld.idx.msk [tilespmem:v6+s26+$0x0], $0xffff;
	_ =	sdelay $0x4  }
0x27b: {  	[tilespmem:v4+s1+$0x0] =	vst.idx.add.f32.msk $0xffff, v5  }
0x27c: {  	s22 =	simm.s32 $0x0;
	s31 =	simm.s32 $0x2580;
	[tilespmem:v4+s24+$0x0] =	vst.idx.add.f32.msk $0xffff, v3  }
0x27d: {  	v5 =	vmov s22;
	[tilespmem:s26], [sflag:$0x2] =	stream.indirect.gather [hbm4b:s3+s25], $0x10, s31, s25, $0xb8;
	[tilespmem:$0xCF10] =	vst v63  }
0x27e: {  	v4 =	vshll.u32 v5, $0x4;
	_ =	swait.ge [sflag:s29], $0x2800  }
0x27f: {  	v5 =	vor.u32 v2, v4;
	[sflag:s29] =	ssyncset.done $0x0  }
0x280: {  	s7 =	simm.s32 $0xC080;
	[sflag:s29] =	ssyncadd.s32 $0xFFFFD800  }
0x281: {  	v4 =	vld [tilespmem:s7+$0x0];
	_ =	sdelay $0x2  }
0x282: {  	v5 =	vld.idx.msk [tilespmem:v5+s28+$0x0], $0xffff  }
0x283: {  	s20 =	simm.s32 $0x10  }
0x284: {  	v6 =	vmov s20  }
0x285: {  	v6 =	vshll.u32 v6, $0x4;
	s22 =	simm.s32 $0x20  }
.LBB2_60:
0x286: {  	p0 =	sne.s32 s22, $0x270;
	v6 =	vor.u32 v2, v6  }
0x287: {  	[tilespmem:v4+s1+$0x0] =	vst.idx.add.f32.msk $0xffff, v5  }
0x288: {  	s7 =	sadd.s32 $0x10, s7;
	[tilespmem:v4+s24+$0x0] =	vst.idx.add.f32.msk $0xffff, v3  }
0x289: {  	v4 =	vld [tilespmem:s7+$0x0];
	_ =	sdelay $0x1  }
.Ltmp29:
0x28a: {  	v5 =	vld.idx.msk [tilespmem:v6+s28+$0x0], $0xffff;
	(pc) =	sbr.rel @p0 .LBB2_60-.Ltmp29, $3  }
0x28b: {  	_ =	sdelay $0x1  }
0x28c: {  	v6 =	vmov s22  }
0x28d: {  	s22 =	sadd.s32 $0x10, s22;
	v6 =	vshll.u32 v6, $0x4  }
0x28e: {  	_ =	sdelay $0x3  }
0x28f: {  	v6 =	vor.u32 v2, v6;
	[tilespmem:v4+s1+$0x0] =	vst.idx.add.f32.msk $0xffff, v5  }
0x290: {  	s7 =	sadd.s32 $0x10, s7;
	[tilespmem:v4+s24+$0x0] =	vst.idx.add.f32.msk $0xffff, v3  }
0x291: {  	v4 =	vld [tilespmem:s7+$0x0];
	_ =	sdelay $0x2  }
0x292: {  	v5 =	vld.idx.msk [tilespmem:v6+s28+$0x0], $0xffff;
	_ =	sdelay $0x4  }
0x293: {  	s31 =	simm.s32 $0x0;
	[tilespmem:v4+s1+$0x0] =	vst.idx.add.f32.msk $0xffff, v5  }
0x294: {  	v6 =	vmov s31;
	[tilespmem:v4+s24+$0x0] =	vst.idx.add.f32.msk $0xffff, v3  }
0x295: {  	v5 =	vshll.u32 v6, $0x4;
	_ =	swait.ge [sflag:s4], $0x2800  }
0x296: {  	v5 =	vor.u32 v2, v5;
	[sflag:s4] =	ssyncset.done $0x0  }
0x297: {  	s7 =	simm.s32 $0xC300;
	[sflag:s4] =	ssyncadd.s32 $0xFFFFD800  }
0x298: {  	v4 =	vld [tilespmem:s7+$0x0];
	_ =	sdelay $0x2  }
0x299: {  	v5 =	vld.idx.msk [tilespmem:v5+s30+$0x0], $0xffff  }
0x29a: {  	s20 =	simm.s32 $0x10  }
0x29b: {  	v6 =	vmov s20  }
0x29c: {  	s22 =	simm.s32 $0x20;
	v6 =	vshll.u32 v6, $0x4  }
.LBB2_62:
0x29d: {  	p0 =	sne.s32 s22, $0x270;
	v6 =	vor.u32 v2, v6  }
0x29e: {  	[tilespmem:v4+s1+$0x0] =	vst.idx.add.f32.msk $0xffff, v5  }
0x29f: {  	s7 =	sadd.s32 $0x10, s7;
	[tilespmem:v4+s24+$0x0] =	vst.idx.add.f32.msk $0xffff, v3  }
0x2a0: {  	v4 =	vld [tilespmem:s7+$0x0];
	_ =	sdelay $0x1  }
.Ltmp30:
0x2a1: {  	v5 =	vld.idx.msk [tilespmem:v6+s30+$0x0], $0xffff;
	(pc) =	sbr.rel @p0 .LBB2_62-.Ltmp30, $3  }
0x2a2: {  	_ =	sdelay $0x1  }
0x2a3: {  	v6 =	vmov s22  }
0x2a4: {  	s22 =	sadd.s32 $0x10, s22;
	v6 =	vshll.u32 v6, $0x4  }
0x2a5: {  	_ =	sdelay $0x3  }
0x2a6: {  	v6 =	vor.u32 v2, v6;
	[tilespmem:v4+s1+$0x0] =	vst.idx.add.f32.msk $0xffff, v5  }
0x2a7: {  	s7 =	sadd.s32 $0x10, s7;
	[tilespmem:v4+s24+$0x0] =	vst.idx.add.f32.msk $0xffff, v3  }
0x2a8: {  	v4 =	vld [tilespmem:s7+$0x0];
	_ =	sdelay $0x2  }
0x2a9: {  	v5 =	vld.idx.msk [tilespmem:v6+s30+$0x0], $0xffff;
	_ =	sdelay $0x4  }
0x2aa: {  	s31 =	simm.s32 $0x0;
	[tilespmem:v4+s1+$0x0] =	vst.idx.add.f32.msk $0xffff, v5  }
0x2ab: {  	v6 =	vmov s31;
	[tilespmem:v4+s24+$0x0] =	vst.idx.add.f32.msk $0xffff, v3  }
0x2ac: {  	v5 =	vshll.u32 v6, $0x4;
	_ =	swait.ge [sflag:s0], $0x2800  }
0x2ad: {  	v5 =	vor.u32 v2, v5;
	[sflag:s0] =	ssyncset.done $0x0  }
0x2ae: {  	s7 =	simm.s32 $0xC580;
	[sflag:s0] =	ssyncadd.s32 $0xFFFFD800  }
0x2af: {  	v4 =	vld [tilespmem:s7+$0x0];
	_ =	sdelay $0x2  }
0x2b0: {  	v5 =	vld.idx.msk [tilespmem:v5+s26+$0x0], $0xffff  }
0x2b1: {  	s20 =	simm.s32 $0x10  }
0x2b2: {  	v6 =	vmov s20  }
0x2b3: {  	s22 =	simm.s32 $0x20;
	v6 =	vshll.u32 v6, $0x4  }
.LBB2_64:
0x2b4: {  	p0 =	sne.s32 s22, $0x180;
	v6 =	vor.u32 v2, v6  }
0x2b5: {  	[tilespmem:v4+s1+$0x0] =	vst.idx.add.f32.msk $0xffff, v5  }
0x2b6: {  	s7 =	sadd.s32 $0x10, s7;
	[tilespmem:v4+s24+$0x0] =	vst.idx.add.f32.msk $0xffff, v3  }
0x2b7: {  	v4 =	vld [tilespmem:s7+$0x0];
	_ =	sdelay $0x1  }
.Ltmp31:
0x2b8: {  	v5 =	vld.idx.msk [tilespmem:v6+s26+$0x0], $0xffff;
	(pc) =	sbr.rel @p0 .LBB2_64-.Ltmp31, $3  }
0x2b9: {  	_ =	sdelay $0x1  }
0x2ba: {  	v6 =	vmov s22  }
0x2bb: {  	s22 =	sadd.s32 $0x10, s22;
	v6 =	vshll.u32 v6, $0x4  }
0x2bc: {  	_ =	sdelay $0x3  }
0x2bd: {  	v6 =	vor.u32 v2, v6;
	[tilespmem:v4+s1+$0x0] =	vst.idx.add.f32.msk $0xffff, v5  }
0x2be: {  	s7 =	sadd.s32 $0x10, s7;
	[tilespmem:v4+s24+$0x0] =	vst.idx.add.f32.msk $0xffff, v3  }
0x2bf: {  	v4 =	vld [tilespmem:s7+$0x0];
	_ =	sdelay $0x2  }
0x2c0: {  	v5 =	vld.idx.msk [tilespmem:v6+s26+$0x0], $0xffff;
	_ =	sdelay $0x4  }
0x2c1: {  	[tilespmem:v4+s1+$0x0] =	vst.idx.add.f32.msk $0xffff, v5  }
0x2c2: {  	s20 =	simm.s32 $0x0;
	s31 =	rddreg [dreg:$0x6];
	[tilespmem:v4+s24+$0x0] =	vst.idx.add.f32.msk $0xffff, v3  }
0x2c3: {  	[hbm4b:s31+s20] =	stream.linear.scatter [tilespmem:s1], [sflag:$0x5], $0x400, $0x38;
	[tilespmem:$0xCF10] =	vst v63  }
0x2c4: {  	_ =	swait.ge [sflag:s5], $0x400  }
0x2c5: {  	[sflag:s5] =	ssyncset.done $0x0  }
0x2c6: {  	s22 =	rddreg [dreg:$0x7];
	[sflag:s5] =	ssyncadd.s32 $0xFFFFFC00  }
0x2c7: {  	[hbm4b:s22+s20] =	stream.linear.scatter [tilespmem:s24], [sflag:$0x5], $0x400, $0x38;
	[tilespmem:$0xCF10] =	vst v63  }
0x2c8: {  	_ =	swait.ge [sflag:s5], $0x400  }
0x2c9: {  	s6 =	sadd.s32 $0x1, s6;
	s31 =	rddreg [dreg:$0x8]  }
0x2ca: {  	p0 =	sne.s32 s6, s31  }
.Ltmp32:
0x2cb: {  	_ = 	snop;
	(pc) =	sbr.rel @p0 .LBB2_1-.Ltmp32, $3  }
0x2cc: {  	_ =	sdelay $0x1  }
0x2cd: {  	[sflag:s5] =	ssyncset.done $0x0  }
0x2ce: {  	[sflag:s5] =	ssyncadd.s32 $0xFFFFFC00  }
0x2cf: {  	_ =	sfence.sel $0x180000  }
0x2d0: {  	[bflag:$0x0] =	sbarrier.arrive $0xFFFF  }
0x2d1: {  	_ =	strace $0x90000047  }
0x2d2: {  	s0 =	stileid.u32;
	[bflag:$0x2] =	sbarrier.arrive $0xFFFF  }
0x2d3: {  	p0 =	sne.s32 s0, $0x0;
	s0 =	rddreg [dreg:$0x4]  }
0x2d4: {  	s0 =	sadd.s32 @!p0 $0x100000, s0  }
0x2d5: {  	[sflag:s0] =	ssyncadd.tile.s32 @!p0 $0x1;
	_ =	shalt  }
.Lfunc_end2:
_tile_overlayer_lowered:
.L_overlay_start_2:
0x2d6: {  	(tag) =	ssettag $0x2  }
0x2d7: {  	s0 =	rddreg [dreg:$0x0];
	s2 =	stileid.u32  }
0x2d8: {  	s1 =	rddreg [dreg:$0x1];
	p0 =	sne.s32 s2, $0x0  }
0x2d9: {  	s3 =	rddreg [dreg:$0x2];
	[bflag:$0x3] =	sbarrier.arrive $0xFFFF;
	s2 =	simm.s32 @!p0 $0x1C05  }
0x2da: {  	[timem:s3], [sflag:s2] =	dma.local @!p0 [hbm:s0], s1  }
0x2db: {  	s0 =	simm.s32 @!p0 $0x5  }
0x2dc: {  	_ =	swait.ge @!p0 [sflag:s0], s1  }
0x2dd: {  	s1 =	ssub.s32 @!p0 $0x0, s1;
	[sflag:s0] =	ssyncset.done @!p0 $0x0  }
0x2de: {  	[sflag:s0] =	ssyncadd.s32 @!p0 s1  }
0x2df: {  	[bflag:$0x3] =	sbarrier.arrive $0xFFFF  }
0x2e0: {  	_ =	shalt  }

</sc_bundles>
